<compile_context>
chip_gen: v7x
topology: tpu7x:2x2x1
jax: 0.10.2.dev20260603
libtpu: 0.0.44.dev20260713+nightly
codegen_flags: <defaults>
</compile_context>

<pallas_src>
import functools

import jax
import jax.numpy as jnp
from jax import lax
from jax.experimental import pallas as pl
from jax.experimental.pallas import tpu as pltpu
from jax.experimental.pallas import tpu_sc as plsc

B, N, DIN, H = 8, 4096, 128, 64
E2, E3 = 262144, 524288
E = E2 + E3
HP1 = H + 1
K = 1024
KN = K + 1
TROWS = 2 * KN
TB3 = TROWS * 3 + 2
CPAD = 2064
BT = 2048
NS = 16
NW = 32
CHUNK = 1024
NCHUNK = E // CHUNK
D = B * N


def _ln(x, g, b, eps=1e-5):
    mu = jnp.mean(x, axis=-1, keepdims=True)
    var = jnp.mean((x - mu) ** 2, axis=-1, keepdims=True)
    return (x - mu) / jnp.sqrt(var + eps) * g + b


def _mlp3(h, w1, b1, w2, b2, w3, b3):
    h = jnp.maximum(jnp.dot(h, w1, preferred_element_type=jnp.float32,
                            precision=jax.lax.Precision.HIGHEST) + b1, 0.0)
    h = jnp.maximum(jnp.dot(h, w2, preferred_element_type=jnp.float32,
                            precision=jax.lax.Precision.HIGHEST) + b2, 0.0)
    return jnp.dot(h, w3, preferred_element_type=jnp.float32,
                   precision=jax.lax.Precision.HIGHEST) + b3


def _full(shape):
    return pl.BlockSpec(shape, lambda *_: tuple(0 for _ in shape))


def _tok_kernel(x_ref, win_ref, bin_ref, lng_ref, lnb_ref, pe_ref,
                w1_ref, b1_ref, w2_ref, b2_ref, w3_ref, b3_ref,
                xk1_ref, raw_ref, x0p_ref):
    x = x_ref[...]
    raw = jnp.dot(x, win_ref[...], preferred_element_type=jnp.float32,
                  precision=jax.lax.Precision.HIGHEST) + bin_ref[...]
    raw_ref[...] = raw
    h = _ln(raw, lng_ref[...], lnb_ref[...]) + pe_ref[...]
    xk1 = raw + _mlp3(h, w1_ref[...], b1_ref[...], w2_ref[...],
                      b2_ref[...], w3_ref[...], b3_ref[...])
    xk1_ref[...] = xk1
    x0p_ref[0, 0] = jnp.sum(xk1, axis=0)


def _table_kernel(w2w_ref, w3w_ref, b2_ref, b3_ref, lng_ref, lnb_ref,
                  pe2_ref, pe3_ref,
                  w1_ref, b1_ref, w2_ref, b2m_ref, w3_ref, b3m_ref,
                  tab_ref):
    r = jax.lax.broadcasted_iota(jnp.int32, (TROWS, 1), 0)
    is3 = r > K
    v = jnp.where(is3, r - KN, r).astype(jnp.float32) * (1.0 / K)
    wrow = jnp.where(is3, w3w_ref[...], w2w_ref[...])
    brow = jnp.where(is3, b3_ref[...], b2_ref[...])
    perow = jnp.where(is3, pe3_ref[...], pe2_ref[...])
    raw = v * wrow + brow
    h = _ln(raw, lng_ref[...], lnb_ref[...]) + perow
    tab_ref[...] = raw + _mlp3(h, w1_ref[...], b1_ref[...], w2_ref[...],
                               b2m_ref[...], w3_ref[...], b3m_ref[...])


def _prep_kernel(v_ref, b_ref, n_ref, wa_ref, wb_ref):
    is3 = pl.program_id(0) >= (E2 // 128) // 512
    v = v_ref[...]
    t = v * float(K)
    i = jnp.minimum(t.astype(jnp.int32), K - 1)
    f = t - i.astype(jnp.float32)
    fq = (f * 32767.0).astype(jnp.int32)
    dest = b_ref[...] * N + n_ref[...]
    wa_ref[...] = jnp.bitwise_or(dest, jnp.left_shift(fq, 15))
    wb_ref[...] = jnp.where(is3, i + KN, i)


def _sc_body(wa_hbm, wb_hbm, tab_hbm, acc_hbm, c_hbm,
             tab_v, wa_v0, wb_v0, wa_v1, wb_v1, acc_v, cpriv_v, sem0, sem1):
    c = lax.axis_index("c")
    s = lax.axis_index("s")
    wid = c * NS + s
    iota16 = jax.lax.iota(jnp.int32, 16)

    pltpu.sync_copy(tab_hbm.at[wid], tab_v)

    def zbody(rr, carry):
        acc_v[pl.ds(rr * 16, 16)] = jnp.zeros((16,), jnp.float32)
        return carry
    lax.fori_loop(0, (D * 3) // 16, zbody, 0)

    def zbody2(rr, carry):
        cpriv_v[pl.ds(rr * 16, 16)] = jnp.zeros((16,), jnp.float32)
        return carry
    lax.fori_loop(0, (B * CPAD) // 16, zbody2, 0)

    def pk_start(k, bufa, bufb, sem):
        pltpu.async_copy(wa_hbm.at[pl.ds(k * CHUNK, CHUNK)], bufa, sem)
        pltpu.async_copy(wb_hbm.at[pl.ds(k * CHUNK, CHUNK)], bufb, sem)

    def pk_wait(bufa, bufb, sem):
        pltpu.make_async_copy(wa_hbm.at[pl.ds(0, CHUNK)], bufa, sem).wait()
        pltpu.make_async_copy(wb_hbm.at[pl.ds(0, CHUNK)], bufb, sem).wait()

    def compute(wa_v, wb_v):
        @plsc.parallel_loop(0, CHUNK // 16, unroll=8)
        def grp(j):
            pos = j * 16 + iota16
            wa = plsc.load_gather(wa_v, [pos])
            wb = plsc.load_gather(wb_v, [pos])
            dest = jnp.bitwise_and(wa, 0x7FFF)
            fq = jnp.bitwise_and(lax.shift_right_logical(wa, 15), 0x7FFF)
            f = fq.astype(jnp.float32) * (1.0 / 32767.0)
            wb3 = wb * 3
            d3 = dest * 3
            for chl in range(2):
                a = plsc.load_gather(tab_v, [wb3 + chl])
                bb = plsc.load_gather(tab_v, [wb3 + 3 + chl])
                plsc.addupdate_scatter(acc_v, [d3 + chl], a + f * (bb - a))
            plsc.addupdate_scatter(acc_v, [d3 + 2], jnp.ones((16,), jnp.float32))
            bidx = lax.shift_right_logical(dest, 12)
            ci = bidx * CPAD + wb
            plsc.addupdate_scatter(cpriv_v, [ci], 1.0 - f)
            plsc.addupdate_scatter(cpriv_v, [ci + 1], f)

    pk_start(0, wa_v0, wb_v0, sem0)

    def outer(t, carry):
        pk_start(2 * t + 1, wa_v1, wb_v1, sem1)
        pk_wait(wa_v0, wb_v0, sem0)
        compute(wa_v0, wb_v0)
        pk_start(jnp.minimum(2 * t + 2, NCHUNK - 1), wa_v0, wb_v0, sem0)
        pk_wait(wa_v1, wb_v1, sem1)
        compute(wa_v1, wb_v1)
        return carry
    lax.fori_loop(0, NCHUNK // 2, outer, 0)
    pk_wait(wa_v0, wb_v0, sem0)

    pltpu.sync_copy(acc_v, acc_hbm.at[wid])
    pltpu.sync_copy(cpriv_v, c_hbm.at[wid])


def _x0_kernel(c_ref, t2_ref, t3_ref, x0p_ref,
               lng_ref, lnb_ref, pe_ref,
               w1_ref, b1_ref, w2_ref, b2_ref, w3_ref, b3_ref, out_ref):
    cs = jnp.sum(c_ref[...], axis=0)
    c2 = cs[:, :KN]
    c3 = cs[:, KN:TROWS]
    s2 = jnp.dot(c2, t2_ref[...], preferred_element_type=jnp.float32,
                 precision=jax.lax.Precision.HIGHEST)
    s3 = jnp.dot(c3, t3_ref[...], preferred_element_type=jnp.float32,
                 precision=jax.lax.Precision.HIGHEST)
    n2 = jnp.sum(c2, axis=1, keepdims=True)
    n3 = jnp.sum(c3, axis=1, keepdims=True)
    x0k1 = jnp.sum(x0p_ref[...], axis=1)
    x0 = (x0k1 + s2 * 0.5 + s3 * (1.0 / 3.0)) / (float(N) + n2 + n3)
    h = _ln(x0, lng_ref[...], lnb_ref[...]) + pe_ref[...]
    out_ref[...] = x0 + _mlp3(h, w1_ref[...], b1_ref[...], w2_ref[...],
                              b2_ref[...], w3_ref[...], b3_ref[...])


def _combine_kernel(xk1_ref, raw_ref, a_ref, x0_ref,
                    lng2_ref, lnb2_ref, pe2s1_ref,
                    m2w1_ref, m2b1_ref, m2w2_ref, m2b2_ref, m2w3_ref, m2b3_ref,
                    lng3_ref, lnb3_ref,
                    m3w1_ref, m3b1_ref, m3w2_ref, m3b2_ref, m3w3_ref, m3b3_ref,
                    outw_ref, outb_ref, out_ref):
    xk1 = xk1_ref[0]
    a = a_ref[0]
    x1 = (xk1 + a[:, :H]) / (1.0 + a[:, H:HP1])
    h = _ln(x1, lng2_ref[...], lnb2_ref[...]) + pe2s1_ref[...]
    x1 = x1 + _mlp3(h, m2w1_ref[...], m2b1_ref[...], m2w2_ref[...],
                    m2b2_ref[...], m2w3_ref[...], m2b3_ref[...])
    xx = x0_ref[0] + x1
    h = _ln(xx, lng3_ref[...], lnb3_ref[...])
    xx = xx + _mlp3(h, m3w1_ref[...], m3b1_ref[...], m3w2_ref[...],
                    m3b2_ref[...], m3w3_ref[...], m3b3_ref[...])
    xx = raw_ref[0] + xx
    out_ref[0] = jnp.dot(xx, outw_ref[...], preferred_element_type=jnp.float32,
                         precision=jax.lax.Precision.HIGHEST) + outb_ref[...]


def kernel(x, w2_values, w3_values, params, w2_idx_b, w2_idx_n, w3_idx_b, w3_idx_n):
    p = params
    f32 = jnp.float32
    xf = x.reshape(B * N, DIN)

    tok = pl.pallas_call(
        _tok_kernel,
        grid=(B * N // BT,),
        in_specs=[pl.BlockSpec((BT, DIN), lambda i: (i, 0))] + [
            _full(s) for s in [(DIN, H), (H,), (H,), (H,), (H,),
                               (H, H), (H,), (H, H), (H,), (H, H), (H,)]],
        out_specs=[pl.BlockSpec((BT, H), lambda i: (i, 0)),
                   pl.BlockSpec((BT, H), lambda i: (i, 0)),
                   pl.BlockSpec((1, 1, H), lambda i: (i, 0, 0))],
        out_shape=[jax.ShapeDtypeStruct((B * N, H), f32),
                   jax.ShapeDtypeStruct((B * N, H), f32),
                   jax.ShapeDtypeStruct((B * N // BT, 1, H), f32)],
    )
    xk1, raw, x0p = tok(xf, p['x_in_w'], p['x_in_b'], p['ln1_g'], p['ln1_b'],
                        p['pe1'][1], p['mlp1_w1'], p['mlp1_b1'], p['mlp1_w2'],
                        p['mlp1_b2'], p['mlp1_w3'], p['mlp1_b3'])

    table = pl.pallas_call(
        _table_kernel,
        in_specs=[_full(s) for s in [(1, H), (1, H), (H,), (H,), (H,), (H,),
                                     (H,), (H,),
                                     (H, H), (H,), (H, H), (H,), (H, H), (H,)]],
        out_specs=_full((TROWS, H)),
        out_shape=jax.ShapeDtypeStruct((TROWS, H), f32),
    )(p['w2_in_w'], p['w3_in_w'], p['w2_in_b'], p['w3_in_b'],
      p['ln1_g'], p['ln1_b'], p['pe1'][2], p['pe1'][3],
      p['mlp1_w1'], p['mlp1_b1'], p['mlp1_w2'], p['mlp1_b2'],
      p['mlp1_w3'], p['mlp1_b3'])

    tmerge = jnp.concatenate([table[:KN], table[KN:] * 0.5], axis=0)
    tabcat = jnp.concatenate([tmerge, jnp.ones((TROWS, 1), f32)], axis=-1)
    cols = jnp.array([[2 * t, 2 * t + 1, (H if t == NW - 1 else 2 * t)]
                      for t in range(NW)], jnp.int32)
    tab_pertile = jnp.transpose(tabcat[:, cols], (1, 0, 2)).reshape(NW, TROWS * 3)
    tab_pertile = jnp.pad(tab_pertile, ((0, 0), (0, TB3 - TROWS * 3)))

    v_all = jnp.concatenate([w2_values[:, 0], w3_values[:, 0]]).reshape(-1, 128)
    b_all = jnp.concatenate([w2_idx_b, w3_idx_b]).astype(jnp.int32).reshape(-1, 128)
    n_all = jnp.concatenate([w2_idx_n, w3_idx_n]).astype(jnp.int32).reshape(-1, 128)
    nrows = E // 128
    prep = pl.pallas_call(
        _prep_kernel,
        grid=(nrows // 512,),
        in_specs=[pl.BlockSpec((512, 128), lambda i: (i, 0))] * 3,
        out_specs=[pl.BlockSpec((512, 128), lambda i: (i, 0))] * 2,
        out_shape=[jax.ShapeDtypeStruct((nrows, 128), jnp.int32)] * 2,
    )
    wa, wb = prep(v_all, b_all, n_all)

    sc = pl.kernel(
        _sc_body,
        out_type=[jax.ShapeDtypeStruct((NW, D * 3), f32),
                  jax.ShapeDtypeStruct((NW, B * CPAD), f32)],
        mesh=plsc.VectorSubcoreMesh(core_axis_name="c", subcore_axis_name="s"),
        compiler_params=pltpu.CompilerParams(needs_layout_passes=False),
        scratch_types=[
            pltpu.VMEM((TB3,), f32),
            pltpu.VMEM((CHUNK,), jnp.int32),
            pltpu.VMEM((CHUNK,), jnp.int32),
            pltpu.VMEM((CHUNK,), jnp.int32),
            pltpu.VMEM((CHUNK,), jnp.int32),
            pltpu.VMEM((D * 3,), f32),
            pltpu.VMEM((B * CPAD,), f32),
            pltpu.SemaphoreType.DMA,
            pltpu.SemaphoreType.DMA,
        ],
    )
    acc, chist = sc(wa.reshape(E), wb.reshape(E), tab_pertile)

    accr = acc.reshape(NW, D, 3)
    af = jnp.concatenate(
        [accr[:, :, :2].transpose(1, 0, 2).reshape(D, H),
         accr[NW - 1, :, 2:3]], axis=-1).reshape(B, N, HP1)


    x0 = pl.pallas_call(
        _x0_kernel,
        in_specs=[_full(s) for s in [(1, B, CPAD), (KN, H), (KN, H), (B, 2, H),
                                     (H,), (H,), (H,),
                                     (H, H), (H,), (H, H), (H,), (H, H), (H,)]],
        out_specs=_full((B, H)),
        out_shape=jax.ShapeDtypeStruct((B, H), f32),
    )(chist[0].reshape(1, B, CPAD), table[:KN], table[KN:], x0p.reshape(B, 2, H),
      p['ln2_g'], p['ln2_b'], p['pe2'][0],
      p['mlp2_w1'], p['mlp2_b1'], p['mlp2_w2'], p['mlp2_b2'],
      p['mlp2_w3'], p['mlp2_b3'])

    comb = pl.pallas_call(
        _combine_kernel,
        grid=(B, N // BT),
        in_specs=[
            pl.BlockSpec((1, BT, H), lambda b, j: (b, j, 0)),
            pl.BlockSpec((1, BT, H), lambda b, j: (b, j, 0)),
            pl.BlockSpec((1, BT, HP1), lambda b, j: (b, j, 0)),
            pl.BlockSpec((1, 1, H), lambda b, j: (b, 0, 0)),
        ] + [_full(s) for s in [(H,), (H,), (H,),
                                (H, H), (H,), (H, H), (H,), (H, H), (H,),
                                (H,), (H,),
                                (H, H), (H,), (H, H), (H,), (H, H), (H,),
                                (H, H), (H,)]],
        out_specs=pl.BlockSpec((1, BT, H), lambda b, j: (b, j, 0)),
        out_shape=jax.ShapeDtypeStruct((B, N, H), f32),
    )
    out = comb(xk1.reshape(B, N, H), raw.reshape(B, N, H), af,
               x0.reshape(B, 1, H),
               p['ln2_g'], p['ln2_b'], p['pe2'][1],
               p['mlp2_w1'], p['mlp2_b1'], p['mlp2_w2'], p['mlp2_b2'],
               p['mlp2_w3'], p['mlp2_b3'],
               p['ln3_g'], p['ln3_b'],
               p['mlp3_w1'], p['mlp3_b1'], p['mlp3_w2'], p['mlp3_b2'],
               p['mlp3_w3'], p['mlp3_b3'],
               p['out_w'], p['out_b'])
    return out

# --- scband reference (transcript-rebuilt; emitter-appended) ---
"""Pipeline reference for scband-hyper-gnnlayer-10290741641950 (READ-ONLY COPY).

The authoritative reference and input builder live on the scoring server;
editing this copy changes nothing except your own understanding.
"""

import jax, jax.numpy as jnp
import numpy as np

B, N, DIN, H = 8, 4096, 128, 64
E2, E3 = 262144, 524288

def _ln(x, g, b, eps=1e-5):
    mu = jnp.mean(x, axis=-1, keepdims=True)
    var = jnp.mean((x - mu) ** 2, axis=-1, keepdims=True)
    return (x - mu) / jnp.sqrt(var + eps) * g + b

def _mlp(x, p, name):
    h = jnp.maximum(jnp.dot(x, p[name + '_w1']) + p[name + '_b1'], 0.0)
    h = jnp.maximum(jnp.dot(h, p[name + '_w2']) + p[name + '_b2'], 0.0)
    return jnp.dot(h, p[name + '_w3']) + p[name + '_b3']

def _forward(x, w2_values, w3_values, p, w2_idx_b, w2_idx_n, w3_idx_b, w3_idx_n):
    x_k1 = jnp.dot(x, p['x_in_w']) + p['x_in_b']
    x_k2 = jnp.dot(w2_values, p['w2_in_w']) + p['w2_in_b']
    x_k3 = jnp.dot(w3_values, p['w3_in_w']) + p['w3_in_b']
    pe1_k1 = p['pe1'][1][None, None, :]
    pe1_k2 = p['pe1'][2][None, :]
    pe1_k3 = p['pe1'][3][None, :]
    xk1 = x_k1 + _mlp(_ln(x_k1, p['ln1_g'], p['ln1_b']) + pe1_k1, p, 'mlp1')
    xk2 = x_k2 + _mlp(_ln(x_k2, p['ln1_g'], p['ln1_b']) + pe1_k2, p, 'mlp1')
    xk3 = x_k3 + _mlp(_ln(x_k3, p['ln1_g'], p['ln1_b']) + pe1_k3, p, 'mlp1')
    x0_k1 = jnp.sum(xk1, axis=1)
    x0_k1_norm = jnp.full((B, 1), float(N), dtype=x.dtype)
    cat2 = jnp.concatenate([xk2, jnp.ones((E2, 1), dtype=x.dtype)], axis=-1)
    cat3 = jnp.concatenate([xk3, jnp.ones((E3, 1), dtype=x.dtype)], axis=-1)
    x0_k2_full = jnp.zeros((B, H + 1), dtype=x.dtype).at[w2_idx_b].add(cat2)
    x0_k3_full = jnp.zeros((B, H + 1), dtype=x.dtype).at[w3_idx_b].add(cat3)
    x0_k2, x0_k2_norm = x0_k2_full[:, :H], x0_k2_full[:, H:]
    x0_k3, x0_k3_norm = x0_k3_full[:, :H], x0_k3_full[:, H:]
    x0 = (x0_k1 + x0_k2 / 2 + x0_k3 / 3) / (x0_k1_norm + x0_k2_norm + x0_k3_norm)
    x0 = x0[:, None, :]
    x1_k2_full = jnp.zeros((B, N, H + 1), dtype=x.dtype).at[w2_idx_b, w2_idx_n].add(cat2)
    x1_k3_full = jnp.zeros((B, N, H + 1), dtype=x.dtype).at[w3_idx_b, w3_idx_n].add(cat3)
    x1_k2, x1_k2_norm = x1_k2_full[..., :H], x1_k2_full[..., H:]
    x1_k3, x1_k3_norm = x1_k3_full[..., :H], x1_k3_full[..., H:]
    x1 = (xk1 + x1_k2 + x1_k3 / 2) / (1.0 + x1_k2_norm + x1_k3_norm)
    pe2_s0 = p['pe2'][0][None, None, :]
    pe2_s1 = p['pe2'][1][None, None, :]
    x0 = x0 + _mlp(_ln(x0, p['ln2_g'], p['ln2_b']) + pe2_s0, p, 'mlp2')
    x1 = x1 + _mlp(_ln(x1, p['ln2_g'], p['ln2_b']) + pe2_s1, p, 'mlp2')
    xx = x0 + x1
    xx = xx + _mlp(_ln(xx, p['ln3_g'], p['ln3_b']), p, 'mlp3')
    xx = x_k1 + xx
    return jnp.dot(xx, p['out_w']) + p['out_b']

def setup_inputs(seed: int = 0):
    key = jax.random.key(seed)
    ks = [jax.random.fold_in(key, i) for i in range(64)]
    x = jax.random.normal(ks[0], (B, N, DIN), dtype=jnp.float32)
    w2_values = jax.random.uniform(ks[1], (E2, 1), dtype=jnp.float32)
    w3_values = jax.random.uniform(ks[2], (E3, 1), dtype=jnp.float32)
    w2_idx_b = jax.random.randint(ks[3], (E2,), 0, B)
    w2_idx_n = jax.random.randint(ks[4], (E2,), 0, N)
    w3_idx_b = jax.random.randint(ks[5], (E3,), 0, B)
    w3_idx_n = jax.random.randint(ks[6], (E3,), 0, N)
    p = {}
    ki = [10]
    def nrm(shape):
        ki[0] += 1
        return jax.random.normal(ks[ki[0]], shape, dtype=jnp.float32) * 0.05
    p['x_in_w'] = nrm((DIN, H)); p['x_in_b'] = jnp.zeros((H,), jnp.float32)
    p['w2_in_w'] = nrm((1, H)); p['w2_in_b'] = jnp.zeros((H,), jnp.float32)
    p['w3_in_w'] = nrm((1, H)); p['w3_in_b'] = jnp.zeros((H,), jnp.float32)
    for name in ['mlp1', 'mlp2', 'mlp3']:
        for j in range(1, 4):
            p[name + '_w%d' % j] = nrm((H, H))
            p[name + '_b%d' % j] = jnp.zeros((H,), jnp.float32)
    for name in ['ln1', 'ln2', 'ln3']:
        p[name + '_g'] = jnp.ones((H,), jnp.float32)
        p[name + '_b'] = jnp.zeros((H,), jnp.float32)
    p['pe1'] = nrm((4, H))
    p['pe2'] = nrm((2, H))
    p['out_w'] = nrm((H, H)); p['out_b'] = jnp.zeros((H,), jnp.float32)
    return {'x': x, 'w2_values': w2_values, 'w3_values': w3_values, 'params': p,
            'w2_idx_b': w2_idx_b, 'w2_idx_n': w2_idx_n, 'w3_idx_b': w3_idx_b, 'w3_idx_n': w3_idx_n}

def reference(x, w2_values, w3_values, params, w2_idx_b, w2_idx_n, w3_idx_b, w3_idx_n):
    return _forward(x, w2_values, w3_values, params, w2_idx_b, w2_idx_n, w3_idx_b, w3_idx_n)

if __name__ == "__main__":
    import jax
    _d = setup_inputs()
    print(jax.jit(kernel)(*tuple(_d.values())))

</pallas_src>

<mosaic_0001>
#map = affine_map<(d0, d1) -> (0)>
#map1 = affine_map<(d0, d1) -> (0, 0)>
module attributes {stable_mosaic.version = 14 : i64} {
  func.func @_sc_body(%arg0: i32, %arg1: i32, %arg2: memref<786432xi32, #tpu.memory_space<hbm>>, %arg3: memref<786432xi32, #tpu.memory_space<hbm>>, %arg4: memref<32x6152xf32, #tpu.memory_space<hbm>>, %arg5: memref<32x98304xf32, #tpu.memory_space<hbm>>, %arg6: memref<32x16512xf32, #tpu.memory_space<hbm>>, %arg7: memref<6152xf32, #tpu.memory_space<vmem>>, %arg8: memref<1024xi32, #tpu.memory_space<vmem>>, %arg9: memref<1024xi32, #tpu.memory_space<vmem>>, %arg10: memref<1024xi32, #tpu.memory_space<vmem>>, %arg11: memref<1024xi32, #tpu.memory_space<vmem>>, %arg12: memref<98304xf32, #tpu.memory_space<vmem>>, %arg13: memref<16512xf32, #tpu.memory_space<vmem>>, %arg14: memref<!tpu.dma_semaphore, #tpu.memory_space<semaphore_mem>>, %arg15: memref<!tpu.dma_semaphore, #tpu.memory_space<semaphore_mem>>) attributes {dimension_semantics = [#tpu.dimension_semantics<core_parallel>, #tpu.dimension_semantics<subcore_parallel>], iteration_bounds = array<i64: 2, 16>, scalar_prefetch = 0 : i64, scratch_operands = 9 : i64, tpu.core_type = #tpu.core_type<sc_vector_subcore>, window_params = [{transform_indices = #map}, {transform_indices = #map}, {transform_indices = #map1}, {transform_indices = #map1}, {transform_indices = #map1}]} {
    %mul3A = arith.constant 16 : i32
    %mul3A_0 = arith.muli %arg0, %mul3A : i32
    %add3A = arith.addi %mul3A_0, %arg1 : i32
    %iota3A = tpu.iota {dimensions = array<i32: 0>} : vector<16xi32>
    "tpu.region"() ({
      %run_scoped3A = tpu.sem_alloc : memref<!tpu.dma_semaphore, #tpu.memory_space<semaphore_mem>>
      %dma_start3A_32 = arith.constant 0 : i32
      %dma_start3A_33 = tpu.memref_slice %arg4[%add3A, %dma_start3A_32] : memref<32x6152xf32, #tpu.memory_space<hbm>> -> memref<1x6152xf32, #tpu.memory_space<hbm>>
      %dma_start3A_34 = tpu.memref_squeeze %dma_start3A_33 : memref<1x6152xf32, #tpu.memory_space<hbm>> -> memref<6152xf32, #tpu.memory_space<hbm>>
      %dma_start3A_35 = arith.constant 0 : i32
      %dma_start3A_36 = tpu.memref_slice %arg4[%add3A, %dma_start3A_35] : memref<32x6152xf32, #tpu.memory_space<hbm>> -> memref<1x6152xf32, #tpu.memory_space<hbm>>
      %dma_start3A_37 = tpu.memref_squeeze %dma_start3A_36 : memref<1x6152xf32, #tpu.memory_space<hbm>> -> memref<6152xf32, #tpu.memory_space<hbm>>
      tpu.enqueue_dma source(%dma_start3A_37 : memref<6152xf32, #tpu.memory_space<hbm>>) target(%arg7 : memref<6152xf32, #tpu.memory_space<vmem>>) target_semaphore(%run_scoped3A : memref<!tpu.dma_semaphore, #tpu.memory_space<semaphore_mem>>)
      %dma_wait3A_38 = arith.constant 0 : i32
      %dma_wait3A_39 = tpu.memref_slice %arg4[%add3A, %dma_wait3A_38] : memref<32x6152xf32, #tpu.memory_space<hbm>> -> memref<1x6152xf32, #tpu.memory_space<hbm>>
      %dma_wait3A_40 = tpu.memref_squeeze %dma_wait3A_39 : memref<1x6152xf32, #tpu.memory_space<hbm>> -> memref<6152xf32, #tpu.memory_space<hbm>>
      %dma_wait3A_41 = arith.constant 0 : i32
      %dma_wait3A_42 = tpu.memref_slice %arg4[%add3A, %dma_wait3A_41] : memref<32x6152xf32, #tpu.memory_space<hbm>> -> memref<1x6152xf32, #tpu.memory_space<hbm>>
      %dma_wait3A_43 = tpu.memref_squeeze %dma_wait3A_42 : memref<1x6152xf32, #tpu.memory_space<hbm>> -> memref<6152xf32, #tpu.memory_space<hbm>>
      tpu.wait_dma2 semaphore(%run_scoped3A : memref<!tpu.dma_semaphore, #tpu.memory_space<semaphore_mem>>) src(%dma_wait3A_43 : memref<6152xf32, #tpu.memory_space<hbm>>) dst(%arg7 : memref<6152xf32, #tpu.memory_space<vmem>>)
      tpu.yield
    }) : () -> ()
    %scan3A = arith.constant 0 : i32
    %scan3A_1 = arith.constant 0 : i32
    %scan3A_2 = arith.constant 6144 : i32
    %scan3A_3 = arith.addi %scan3A_1, %scan3A_2 : i32
    %scan3A_4 = arith.constant 1 : i32
    scf.for %scan3A_32 = %scan3A_1 to %scan3A_3 step %scan3A_4  : i32 {
      %broadcast_in_dim3A = arith.constant 0.000000e+00 : f32
      %broadcast_in_dim3A_33 = vector.broadcast %broadcast_in_dim3A : f32 to vector<16xf32>
      %mul3A_34 = arith.constant 16 : i32
      %mul3A_35 = arith.muli %scan3A_32, %mul3A_34 : i32
      %swap3A = arith.index_cast %mul3A_35 : i32 to index
      %swap3A_36 = tpu.vector_load %arg12[%swap3A] {strides = array<i32>} : memref<98304xf32, #tpu.memory_space<vmem>>, vector<16xf32>,
      tpu.vector_store %arg12[%swap3A], %broadcast_in_dim3A_33 {strides = array<i32>} : memref<98304xf32, #tpu.memory_space<vmem>>, vector<16xf32>,
    }
    %scan3A_5 = arith.constant 6144 : i32
    %scan3A_6 = arith.constant 0 : i32
    %scan3A_7 = arith.constant 0 : i32
    %scan3A_8 = arith.constant 1032 : i32
    %scan3A_9 = arith.addi %scan3A_7, %scan3A_8 : i32
    %scan3A_10 = arith.constant 1 : i32
    scf.for %scan3A_32 = %scan3A_7 to %scan3A_9 step %scan3A_10  : i32 {
      %broadcast_in_dim3A = arith.constant 0.000000e+00 : f32
      %broadcast_in_dim3A_33 = vector.broadcast %broadcast_in_dim3A : f32 to vector<16xf32>
      %mul3A_34 = arith.constant 16 : i32
      %mul3A_35 = arith.muli %scan3A_32, %mul3A_34 : i32
      %swap3A = arith.index_cast %mul3A_35 : i32 to index
      %swap3A_36 = tpu.vector_load %arg13[%swap3A] {strides = array<i32>} : memref<16512xf32, #tpu.memory_space<vmem>>, vector<16xf32>,
      tpu.vector_store %arg13[%swap3A], %broadcast_in_dim3A_33 {strides = array<i32>} : memref<16512xf32, #tpu.memory_space<vmem>>, vector<16xf32>,
    }
    %scan3A_11 = arith.constant 1032 : i32
    %dma_start3A = arith.constant 0 : i32
    %dma_start3A_12 = tpu.memref_slice %arg2[%dma_start3A] : memref<786432xi32, #tpu.memory_space<hbm>> -> memref<1024xi32, #tpu.memory_space<hbm>>
    %dma_start3A_13 = arith.constant 0 : i32
    %dma_start3A_14 = tpu.memref_slice %arg2[%dma_start3A_13] : memref<786432xi32, #tpu.memory_space<hbm>> -> memref<1024xi32, #tpu.memory_space<hbm>>
    tpu.enqueue_dma source(%dma_start3A_14 : memref<1024xi32, #tpu.memory_space<hbm>>) target(%arg8 : memref<1024xi32, #tpu.memory_space<vmem>>) target_semaphore(%arg14 : memref<!tpu.dma_semaphore, #tpu.memory_space<semaphore_mem>>)
    %dma_start3A_15 = arith.constant 0 : i32
    %dma_start3A_16 = tpu.memref_slice %arg3[%dma_start3A_15] : memref<786432xi32, #tpu.memory_space<hbm>> -> memref<1024xi32, #tpu.memory_space<hbm>>
    %dma_start3A_17 = arith.constant 0 : i32
    %dma_start3A_18 = tpu.memref_slice %arg3[%dma_start3A_17] : memref<786432xi32, #tpu.memory_space<hbm>> -> memref<1024xi32, #tpu.memory_space<hbm>>
    tpu.enqueue_dma source(%dma_start3A_18 : memref<1024xi32, #tpu.memory_space<hbm>>) target(%arg9 : memref<1024xi32, #tpu.memory_space<vmem>>) target_semaphore(%arg14 : memref<!tpu.dma_semaphore, #tpu.memory_space<semaphore_mem>>)
    %scan3A_19 = arith.constant 0 : i32
    %scan3A_20 = arith.constant 0 : i32
    %scan3A_21 = arith.constant 384 : i32
    %scan3A_22 = arith.addi %scan3A_20, %scan3A_21 : i32
    %scan3A_23 = arith.constant 1 : i32
    scf.for %scan3A_32 = %scan3A_20 to %scan3A_22 step %scan3A_23  : i32 {
      %mul3A_33 = arith.constant 2 : i32
      %mul3A_34 = arith.muli %mul3A_33, %scan3A_32 : i32
      %add3A_35 = arith.constant 1 : i32
      %add3A_36 = arith.addi %mul3A_34, %add3A_35 : i32
      %mul3A_37 = arith.constant 1024 : i32
      %mul3A_38 = arith.muli %add3A_36, %mul3A_37 : i32
      %dma_start3A_39 = tpu.memref_slice %arg2[%mul3A_38] : memref<786432xi32, #tpu.memory_space<hbm>> -> memref<1024xi32, #tpu.memory_space<hbm>>
      %dma_start3A_40 = tpu.memref_slice %arg2[%mul3A_38] : memref<786432xi32, #tpu.memory_space<hbm>> -> memref<1024xi32, #tpu.memory_space<hbm>>
      tpu.enqueue_dma source(%dma_start3A_40 : memref<1024xi32, #tpu.memory_space<hbm>>) target(%arg10 : memref<1024xi32, #tpu.memory_space<vmem>>) target_semaphore(%arg15 : memref<!tpu.dma_semaphore, #tpu.memory_space<semaphore_mem>>)
      %mul3A_41 = arith.constant 1024 : i32
      %mul3A_42 = arith.muli %add3A_36, %mul3A_41 : i32
      %dma_start3A_43 = tpu.memref_slice %arg3[%mul3A_42] : memref<786432xi32, #tpu.memory_space<hbm>> -> memref<1024xi32, #tpu.memory_space<hbm>>
      %dma_start3A_44 = tpu.memref_slice %arg3[%mul3A_42] : memref<786432xi32, #tpu.memory_space<hbm>> -> memref<1024xi32, #tpu.memory_space<hbm>>
      tpu.enqueue_dma source(%dma_start3A_44 : memref<1024xi32, #tpu.memory_space<hbm>>) target(%arg11 : memref<1024xi32, #tpu.memory_space<vmem>>) target_semaphore(%arg15 : memref<!tpu.dma_semaphore, #tpu.memory_space<semaphore_mem>>)
      %dma_wait3A_45 = arith.constant 0 : i32
      %dma_wait3A_46 = tpu.memref_slice %arg2[%dma_wait3A_45] : memref<786432xi32, #tpu.memory_space<hbm>> -> memref<1024xi32, #tpu.memory_space<hbm>>
      %dma_wait3A_47 = arith.constant 0 : i32
      %dma_wait3A_48 = tpu.memref_slice %arg2[%dma_wait3A_47] : memref<786432xi32, #tpu.memory_space<hbm>> -> memref<1024xi32, #tpu.memory_space<hbm>>
      tpu.wait_dma2 semaphore(%arg14 : memref<!tpu.dma_semaphore, #tpu.memory_space<semaphore_mem>>) src(%dma_wait3A_48 : memref<1024xi32, #tpu.memory_space<hbm>>) dst(%arg8 : memref<1024xi32, #tpu.memory_space<vmem>>)
      %dma_wait3A_49 = arith.constant 0 : i32
      %dma_wait3A_50 = tpu.memref_slice %arg3[%dma_wait3A_49] : memref<786432xi32, #tpu.memory_space<hbm>> -> memref<1024xi32, #tpu.memory_space<hbm>>
      %dma_wait3A_51 = arith.constant 0 : i32
      %dma_wait3A_52 = tpu.memref_slice %arg3[%dma_wait3A_51] : memref<786432xi32, #tpu.memory_space<hbm>> -> memref<1024xi32, #tpu.memory_space<hbm>>
      tpu.wait_dma2 semaphore(%arg14 : memref<!tpu.dma_semaphore, #tpu.memory_space<semaphore_mem>>) src(%dma_wait3A_52 : memref<1024xi32, #tpu.memory_space<hbm>>) dst(%arg9 : memref<1024xi32, #tpu.memory_space<vmem>>)
      %parallel_loop3A = arith.constant 0 : i32
      %parallel_loop3A_53 = arith.constant 64 : i32
      %parallel_loop3A_54 = arith.constant 1 : i32
      scf.for %parallel_loop3A_79 = %parallel_loop3A to %parallel_loop3A_53 step %parallel_loop3A_54  : i32 {
        %parallel_loop3A_80 = arith.constant 16 : i32
        %parallel_loop3A_81 = arith.muli %parallel_loop3A_79, %parallel_loop3A_80 : i32
        %parallel_loop3A_82 = vector.broadcast %parallel_loop3A_81 : i32 to vector<16xi32>
        %parallel_loop3A_83 = arith.addi %parallel_loop3A_82, %iota3A : vector<16xi32>
        %parallel_loop3A_84 = tpu.vector_load_idx %arg8[%parallel_loop3A_83] : memref<1024xi32, #tpu.memory_space<vmem>>[vector<16xi32>], vector<16xi32>,
        %parallel_loop3A_85 = tpu.vector_load_idx %arg9[%parallel_loop3A_83] : memref<1024xi32, #tpu.memory_space<vmem>>[vector<16xi32>], vector<16xi32>,
        %parallel_loop3A_86 = arith.constant 32767 : i32
        %parallel_loop3A_87 = vector.broadcast %parallel_loop3A_86 : i32 to vector<16xi32>
        %parallel_loop3A_88 = arith.andi %parallel_loop3A_84, %parallel_loop3A_87 : vector<16xi32>
        %parallel_loop3A_89 = arith.constant 15 : i32
        %parallel_loop3A_90 = vector.broadcast %parallel_loop3A_89 : i32 to vector<16xi32>
        %parallel_loop3A_91 = arith.shrui %parallel_loop3A_84, %parallel_loop3A_90 : vector<16xi32>
        %parallel_loop3A_92 = arith.constant 32767 : i32
        %parallel_loop3A_93 = vector.broadcast %parallel_loop3A_92 : i32 to vector<16xi32>
        %parallel_loop3A_94 = arith.andi %parallel_loop3A_91, %parallel_loop3A_93 : vector<16xi32>
        %parallel_loop3A_95 = arith.sitofp %parallel_loop3A_94 : vector<16xi32> to vector<16xf32>
        %parallel_loop3A_96 = arith.constant 3.05185094E-5 : f32
        %parallel_loop3A_97 = vector.broadcast %parallel_loop3A_96 : f32 to vector<16xf32>
        %parallel_loop3A_98 = arith.mulf %parallel_loop3A_95, %parallel_loop3A_97 : vector<16xf32>
        %parallel_loop3A_99 = arith.constant 3 : i32
        %parallel_loop3A_100 = vector.broadcast %parallel_loop3A_99 : i32 to vector<16xi32>
        %parallel_loop3A_101 = arith.muli %parallel_loop3A_85, %parallel_loop3A_100 : vector<16xi32>
        %parallel_loop3A_102 = arith.constant 3 : i32
        %parallel_loop3A_103 = vector.broadcast %parallel_loop3A_102 : i32 to vector<16xi32>
        %parallel_loop3A_104 = arith.muli %parallel_loop3A_88, %parallel_loop3A_103 : vector<16xi32>
        %parallel_loop3A_105 = arith.constant 0 : i32
        %parallel_loop3A_106 = vector.broadcast %parallel_loop3A_105 : i32 to vector<16xi32>
        %parallel_loop3A_107 = arith.addi %parallel_loop3A_101, %parallel_loop3A_106 : vector<16xi32>
        %parallel_loop3A_108 = tpu.vector_load_idx %arg7[%parallel_loop3A_107] : memref<6152xf32, #tpu.memory_space<vmem>>[vector<16xi32>], vector<16xf32>,
        %parallel_loop3A_109 = arith.constant 3 : i32
        %parallel_loop3A_110 = vector.broadcast %parallel_loop3A_109 : i32 to vector<16xi32>
        %parallel_loop3A_111 = arith.addi %parallel_loop3A_101, %parallel_loop3A_110 : vector<16xi32>
        %parallel_loop3A_112 = arith.constant 0 : i32
        %parallel_loop3A_113 = vector.broadcast %parallel_loop3A_112 : i32 to vector<16xi32>
        %parallel_loop3A_114 = arith.addi %parallel_loop3A_111, %parallel_loop3A_113 : vector<16xi32>
        %parallel_loop3A_115 = tpu.vector_load_idx %arg7[%parallel_loop3A_114] : memref<6152xf32, #tpu.memory_space<vmem>>[vector<16xi32>], vector<16xf32>,
        %parallel_loop3A_116 = arith.constant 0 : i32
        %parallel_loop3A_117 = vector.broadcast %parallel_loop3A_116 : i32 to vector<16xi32>
        %parallel_loop3A_118 = arith.addi %parallel_loop3A_104, %parallel_loop3A_117 : vector<16xi32>
        %parallel_loop3A_119 = arith.subf %parallel_loop3A_115, %parallel_loop3A_108 : vector<16xf32>
        %parallel_loop3A_120 = arith.mulf %parallel_loop3A_98, %parallel_loop3A_119 : vector<16xf32>
        %parallel_loop3A_121 = arith.addf %parallel_loop3A_108, %parallel_loop3A_120 : vector<16xf32>
        tpu.vector_store_idx %arg12[%parallel_loop3A_118], %parallel_loop3A_121 {add = true} : memref<98304xf32, #tpu.memory_space<vmem>>[vector<16xi32>], vector<16xf32>,
        %parallel_loop3A_122 = arith.constant 1 : i32
        %parallel_loop3A_123 = vector.broadcast %parallel_loop3A_122 : i32 to vector<16xi32>
        %parallel_loop3A_124 = arith.addi %parallel_loop3A_101, %parallel_loop3A_123 : vector<16xi32>
        %parallel_loop3A_125 = tpu.vector_load_idx %arg7[%parallel_loop3A_124] : memref<6152xf32, #tpu.memory_space<vmem>>[vector<16xi32>], vector<16xf32>,
        %parallel_loop3A_126 = arith.constant 3 : i32
        %parallel_loop3A_127 = vector.broadcast %parallel_loop3A_126 : i32 to vector<16xi32>
        %parallel_loop3A_128 = arith.addi %parallel_loop3A_101, %parallel_loop3A_127 : vector<16xi32>
        %parallel_loop3A_129 = arith.constant 1 : i32
        %parallel_loop3A_130 = vector.broadcast %parallel_loop3A_129 : i32 to vector<16xi32>
        %parallel_loop3A_131 = arith.addi %parallel_loop3A_128, %parallel_loop3A_130 : vector<16xi32>
        %parallel_loop3A_132 = tpu.vector_load_idx %arg7[%parallel_loop3A_131] : memref<6152xf32, #tpu.memory_space<vmem>>[vector<16xi32>], vector<16xf32>,
        %parallel_loop3A_133 = arith.constant 1 : i32
        %parallel_loop3A_134 = vector.broadcast %parallel_loop3A_133 : i32 to vector<16xi32>
        %parallel_loop3A_135 = arith.addi %parallel_loop3A_104, %parallel_loop3A_134 : vector<16xi32>
        %parallel_loop3A_136 = arith.subf %parallel_loop3A_132, %parallel_loop3A_125 : vector<16xf32>
        %parallel_loop3A_137 = arith.mulf %parallel_loop3A_98, %parallel_loop3A_136 : vector<16xf32>
        %parallel_loop3A_138 = arith.addf %parallel_loop3A_125, %parallel_loop3A_137 : vector<16xf32>
        tpu.vector_store_idx %arg12[%parallel_loop3A_135], %parallel_loop3A_138 {add = true} : memref<98304xf32, #tpu.memory_space<vmem>>[vector<16xi32>], vector<16xf32>,
        %parallel_loop3A_139 = arith.constant 2 : i32
        %parallel_loop3A_140 = vector.broadcast %parallel_loop3A_139 : i32 to vector<16xi32>
        %parallel_loop3A_141 = arith.addi %parallel_loop3A_104, %parallel_loop3A_140 : vector<16xi32>
        %parallel_loop3A_142 = arith.constant 1.000000e+00 : f32
        %parallel_loop3A_143 = vector.broadcast %parallel_loop3A_142 : f32 to vector<16xf32>
        tpu.vector_store_idx %arg12[%parallel_loop3A_141], %parallel_loop3A_143 {add = true} : memref<98304xf32, #tpu.memory_space<vmem>>[vector<16xi32>], vector<16xf32>,
        %parallel_loop3A_144 = arith.constant 12 : i32
        %parallel_loop3A_145 = vector.broadcast %parallel_loop3A_144 : i32 to vector<16xi32>
        %parallel_loop3A_146 = arith.shrui %parallel_loop3A_88, %parallel_loop3A_145 : vector<16xi32>
        %parallel_loop3A_147 = arith.constant 2064 : i32
        %parallel_loop3A_148 = vector.broadcast %parallel_loop3A_147 : i32 to vector<16xi32>
        %parallel_loop3A_149 = arith.muli %parallel_loop3A_146, %parallel_loop3A_148 : vector<16xi32>
        %parallel_loop3A_150 = arith.addi %parallel_loop3A_149, %parallel_loop3A_85 : vector<16xi32>
        %parallel_loop3A_151 = arith.constant 1.000000e+00 : f32
        %parallel_loop3A_152 = vector.broadcast %parallel_loop3A_151 : f32 to vector<16xf32>
        %parallel_loop3A_153 = arith.subf %parallel_loop3A_152, %parallel_loop3A_98 : vector<16xf32>
        tpu.vector_store_idx %arg13[%parallel_loop3A_150], %parallel_loop3A_153 {add = true} : memref<16512xf32, #tpu.memory_space<vmem>>[vector<16xi32>], vector<16xf32>,
        %parallel_loop3A_154 = arith.constant 1 : i32
        %parallel_loop3A_155 = vector.broadcast %parallel_loop3A_154 : i32 to vector<16xi32>
        %parallel_loop3A_156 = arith.addi %parallel_loop3A_150, %parallel_loop3A_155 : vector<16xi32>
        tpu.vector_store_idx %arg13[%parallel_loop3A_156], %parallel_loop3A_98 {add = true} : memref<16512xf32, #tpu.memory_space<vmem>>[vector<16xi32>], vector<16xf32>,
      } {sc.loop_unroll_factor = 8 : i64, sc.parallel_access}
      %mul3A_55 = arith.constant 2 : i32
      %mul3A_56 = arith.muli %mul3A_55, %scan3A_32 : i32
      %add3A_57 = arith.constant 2 : i32
      %add3A_58 = arith.addi %mul3A_56, %add3A_57 : i32
      %min3A = arith.constant 767 : i32
      %min3A_59 = arith.minsi %add3A_58, %min3A : i32
      %mul3A_60 = arith.constant 1024 : i32
      %mul3A_61 = arith.muli %min3A_59, %mul3A_60 : i32
      %dma_start3A_62 = tpu.memref_slice %arg2[%mul3A_61] : memref<786432xi32, #tpu.memory_space<hbm>> -> memref<1024xi32, #tpu.memory_space<hbm>>
      %dma_start3A_63 = tpu.memref_slice %arg2[%mul3A_61] : memref<786432xi32, #tpu.memory_space<hbm>> -> memref<1024xi32, #tpu.memory_space<hbm>>
      tpu.enqueue_dma source(%dma_start3A_63 : memref<1024xi32, #tpu.memory_space<hbm>>) target(%arg8 : memref<1024xi32, #tpu.memory_space<vmem>>) target_semaphore(%arg14 : memref<!tpu.dma_semaphore, #tpu.memory_space<semaphore_mem>>)
      %mul3A_64 = arith.constant 1024 : i32
      %mul3A_65 = arith.muli %min3A_59, %mul3A_64 : i32
      %dma_start3A_66 = tpu.memref_slice %arg3[%mul3A_65] : memref<786432xi32, #tpu.memory_space<hbm>> -> memref<1024xi32, #tpu.memory_space<hbm>>
      %dma_start3A_67 = tpu.memref_slice %arg3[%mul3A_65] : memref<786432xi32, #tpu.memory_space<hbm>> -> memref<1024xi32, #tpu.memory_space<hbm>>
      tpu.enqueue_dma source(%dma_start3A_67 : memref<1024xi32, #tpu.memory_space<hbm>>) target(%arg9 : memref<1024xi32, #tpu.memory_space<vmem>>) target_semaphore(%arg14 : memref<!tpu.dma_semaphore, #tpu.memory_space<semaphore_mem>>)
      %dma_wait3A_68 = arith.constant 0 : i32
      %dma_wait3A_69 = tpu.memref_slice %arg2[%dma_wait3A_68] : memref<786432xi32, #tpu.memory_space<hbm>> -> memref<1024xi32, #tpu.memory_space<hbm>>
      %dma_wait3A_70 = arith.constant 0 : i32
      %dma_wait3A_71 = tpu.memref_slice %arg2[%dma_wait3A_70] : memref<786432xi32, #tpu.memory_space<hbm>> -> memref<1024xi32, #tpu.memory_space<hbm>>
      tpu.wait_dma2 semaphore(%arg15 : memref<!tpu.dma_semaphore, #tpu.memory_space<semaphore_mem>>) src(%dma_wait3A_71 : memref<1024xi32, #tpu.memory_space<hbm>>) dst(%arg10 : memref<1024xi32, #tpu.memory_space<vmem>>)
      %dma_wait3A_72 = arith.constant 0 : i32
      %dma_wait3A_73 = tpu.memref_slice %arg3[%dma_wait3A_72] : memref<786432xi32, #tpu.memory_space<hbm>> -> memref<1024xi32, #tpu.memory_space<hbm>>
      %dma_wait3A_74 = arith.constant 0 : i32
      %dma_wait3A_75 = tpu.memref_slice %arg3[%dma_wait3A_74] : memref<786432xi32, #tpu.memory_space<hbm>> -> memref<1024xi32, #tpu.memory_space<hbm>>
      tpu.wait_dma2 semaphore(%arg15 : memref<!tpu.dma_semaphore, #tpu.memory_space<semaphore_mem>>) src(%dma_wait3A_75 : memref<1024xi32, #tpu.memory_space<hbm>>) dst(%arg11 : memref<1024xi32, #tpu.memory_space<vmem>>)
      %parallel_loop3A_76 = arith.constant 0 : i32
      %parallel_loop3A_77 = arith.constant 64 : i32
      %parallel_loop3A_78 = arith.constant 1 : i32
      scf.for %parallel_loop3A_79 = %parallel_loop3A_76 to %parallel_loop3A_77 step %parallel_loop3A_78  : i32 {
        %parallel_loop3A_80 = arith.constant 16 : i32
        %parallel_loop3A_81 = arith.muli %parallel_loop3A_79, %parallel_loop3A_80 : i32
        %parallel_loop3A_82 = vector.broadcast %parallel_loop3A_81 : i32 to vector<16xi32>
        %parallel_loop3A_83 = arith.addi %parallel_loop3A_82, %iota3A : vector<16xi32>
        %parallel_loop3A_84 = tpu.vector_load_idx %arg10[%parallel_loop3A_83] : memref<1024xi32, #tpu.memory_space<vmem>>[vector<16xi32>], vector<16xi32>,
        %parallel_loop3A_85 = tpu.vector_load_idx %arg11[%parallel_loop3A_83] : memref<1024xi32, #tpu.memory_space<vmem>>[vector<16xi32>], vector<16xi32>,
        %parallel_loop3A_86 = arith.constant 32767 : i32
        %parallel_loop3A_87 = vector.broadcast %parallel_loop3A_86 : i32 to vector<16xi32>
        %parallel_loop3A_88 = arith.andi %parallel_loop3A_84, %parallel_loop3A_87 : vector<16xi32>
        %parallel_loop3A_89 = arith.constant 15 : i32
        %parallel_loop3A_90 = vector.broadcast %parallel_loop3A_89 : i32 to vector<16xi32>
        %parallel_loop3A_91 = arith.shrui %parallel_loop3A_84, %parallel_loop3A_90 : vector<16xi32>
        %parallel_loop3A_92 = arith.constant 32767 : i32
        %parallel_loop3A_93 = vector.broadcast %parallel_loop3A_92 : i32 to vector<16xi32>
        %parallel_loop3A_94 = arith.andi %parallel_loop3A_91, %parallel_loop3A_93 : vector<16xi32>
        %parallel_loop3A_95 = arith.sitofp %parallel_loop3A_94 : vector<16xi32> to vector<16xf32>
        %parallel_loop3A_96 = arith.constant 3.05185094E-5 : f32
        %parallel_loop3A_97 = vector.broadcast %parallel_loop3A_96 : f32 to vector<16xf32>
        %parallel_loop3A_98 = arith.mulf %parallel_loop3A_95, %parallel_loop3A_97 : vector<16xf32>
        %parallel_loop3A_99 = arith.constant 3 : i32
        %parallel_loop3A_100 = vector.broadcast %parallel_loop3A_99 : i32 to vector<16xi32>
        %parallel_loop3A_101 = arith.muli %parallel_loop3A_85, %parallel_loop3A_100 : vector<16xi32>
        %parallel_loop3A_102 = arith.constant 3 : i32
        %parallel_loop3A_103 = vector.broadcast %parallel_loop3A_102 : i32 to vector<16xi32>
        %parallel_loop3A_104 = arith.muli %parallel_loop3A_88, %parallel_loop3A_103 : vector<16xi32>
        %parallel_loop3A_105 = arith.constant 0 : i32
        %parallel_loop3A_106 = vector.broadcast %parallel_loop3A_105 : i32 to vector<16xi32>
        %parallel_loop3A_107 = arith.addi %parallel_loop3A_101, %parallel_loop3A_106 : vector<16xi32>
        %parallel_loop3A_108 = tpu.vector_load_idx %arg7[%parallel_loop3A_107] : memref<6152xf32, #tpu.memory_space<vmem>>[vector<16xi32>], vector<16xf32>,
        %parallel_loop3A_109 = arith.constant 3 : i32
        %parallel_loop3A_110 = vector.broadcast %parallel_loop3A_109 : i32 to vector<16xi32>
        %parallel_loop3A_111 = arith.addi %parallel_loop3A_101, %parallel_loop3A_110 : vector<16xi32>
        %parallel_loop3A_112 = arith.constant 0 : i32
        %parallel_loop3A_113 = vector.broadcast %parallel_loop3A_112 : i32 to vector<16xi32>
        %parallel_loop3A_114 = arith.addi %parallel_loop3A_111, %parallel_loop3A_113 : vector<16xi32>
        %parallel_loop3A_115 = tpu.vector_load_idx %arg7[%parallel_loop3A_114] : memref<6152xf32, #tpu.memory_space<vmem>>[vector<16xi32>], vector<16xf32>,
        %parallel_loop3A_116 = arith.constant 0 : i32
        %parallel_loop3A_117 = vector.broadcast %parallel_loop3A_116 : i32 to vector<16xi32>
        %parallel_loop3A_118 = arith.addi %parallel_loop3A_104, %parallel_loop3A_117 : vector<16xi32>
        %parallel_loop3A_119 = arith.subf %parallel_loop3A_115, %parallel_loop3A_108 : vector<16xf32>
        %parallel_loop3A_120 = arith.mulf %parallel_loop3A_98, %parallel_loop3A_119 : vector<16xf32>
        %parallel_loop3A_121 = arith.addf %parallel_loop3A_108, %parallel_loop3A_120 : vector<16xf32>
        tpu.vector_store_idx %arg12[%parallel_loop3A_118], %parallel_loop3A_121 {add = true} : memref<98304xf32, #tpu.memory_space<vmem>>[vector<16xi32>], vector<16xf32>,
        %parallel_loop3A_122 = arith.constant 1 : i32
        %parallel_loop3A_123 = vector.broadcast %parallel_loop3A_122 : i32 to vector<16xi32>
        %parallel_loop3A_124 = arith.addi %parallel_loop3A_101, %parallel_loop3A_123 : vector<16xi32>
        %parallel_loop3A_125 = tpu.vector_load_idx %arg7[%parallel_loop3A_124] : memref<6152xf32, #tpu.memory_space<vmem>>[vector<16xi32>], vector<16xf32>,
        %parallel_loop3A_126 = arith.constant 3 : i32
        %parallel_loop3A_127 = vector.broadcast %parallel_loop3A_126 : i32 to vector<16xi32>
        %parallel_loop3A_128 = arith.addi %parallel_loop3A_101, %parallel_loop3A_127 : vector<16xi32>
        %parallel_loop3A_129 = arith.constant 1 : i32
        %parallel_loop3A_130 = vector.broadcast %parallel_loop3A_129 : i32 to vector<16xi32>
        %parallel_loop3A_131 = arith.addi %parallel_loop3A_128, %parallel_loop3A_130 : vector<16xi32>
        %parallel_loop3A_132 = tpu.vector_load_idx %arg7[%parallel_loop3A_131] : memref<6152xf32, #tpu.memory_space<vmem>>[vector<16xi32>], vector<16xf32>,
        %parallel_loop3A_133 = arith.constant 1 : i32
        %parallel_loop3A_134 = vector.broadcast %parallel_loop3A_133 : i32 to vector<16xi32>
        %parallel_loop3A_135 = arith.addi %parallel_loop3A_104, %parallel_loop3A_134 : vector<16xi32>
        %parallel_loop3A_136 = arith.subf %parallel_loop3A_132, %parallel_loop3A_125 : vector<16xf32>
        %parallel_loop3A_137 = arith.mulf %parallel_loop3A_98, %parallel_loop3A_136 : vector<16xf32>
        %parallel_loop3A_138 = arith.addf %parallel_loop3A_125, %parallel_loop3A_137 : vector<16xf32>
        tpu.vector_store_idx %arg12[%parallel_loop3A_135], %parallel_loop3A_138 {add = true} : memref<98304xf32, #tpu.memory_space<vmem>>[vector<16xi32>], vector<16xf32>,
        %parallel_loop3A_139 = arith.constant 2 : i32
        %parallel_loop3A_140 = vector.broadcast %parallel_loop3A_139 : i32 to vector<16xi32>
        %parallel_loop3A_141 = arith.addi %parallel_loop3A_104, %parallel_loop3A_140 : vector<16xi32>
        %parallel_loop3A_142 = arith.constant 1.000000e+00 : f32
        %parallel_loop3A_143 = vector.broadcast %parallel_loop3A_142 : f32 to vector<16xf32>
        tpu.vector_store_idx %arg12[%parallel_loop3A_141], %parallel_loop3A_143 {add = true} : memref<98304xf32, #tpu.memory_space<vmem>>[vector<16xi32>], vector<16xf32>,
        %parallel_loop3A_144 = arith.constant 12 : i32
        %parallel_loop3A_145 = vector.broadcast %parallel_loop3A_144 : i32 to vector<16xi32>
        %parallel_loop3A_146 = arith.shrui %parallel_loop3A_88, %parallel_loop3A_145 : vector<16xi32>
        %parallel_loop3A_147 = arith.constant 2064 : i32
        %parallel_loop3A_148 = vector.broadcast %parallel_loop3A_147 : i32 to vector<16xi32>
        %parallel_loop3A_149 = arith.muli %parallel_loop3A_146, %parallel_loop3A_148 : vector<16xi32>
        %parallel_loop3A_150 = arith.addi %parallel_loop3A_149, %parallel_loop3A_85 : vector<16xi32>
        %parallel_loop3A_151 = arith.constant 1.000000e+00 : f32
        %parallel_loop3A_152 = vector.broadcast %parallel_loop3A_151 : f32 to vector<16xf32>
        %parallel_loop3A_153 = arith.subf %parallel_loop3A_152, %parallel_loop3A_98 : vector<16xf32>
        tpu.vector_store_idx %arg13[%parallel_loop3A_150], %parallel_loop3A_153 {add = true} : memref<16512xf32, #tpu.memory_space<vmem>>[vector<16xi32>], vector<16xf32>,
        %parallel_loop3A_154 = arith.constant 1 : i32
        %parallel_loop3A_155 = vector.broadcast %parallel_loop3A_154 : i32 to vector<16xi32>
        %parallel_loop3A_156 = arith.addi %parallel_loop3A_150, %parallel_loop3A_155 : vector<16xi32>
        tpu.vector_store_idx %arg13[%parallel_loop3A_156], %parallel_loop3A_98 {add = true} : memref<16512xf32, #tpu.memory_space<vmem>>[vector<16xi32>], vector<16xf32>,
      } {sc.loop_unroll_factor = 8 : i64, sc.parallel_access}
    }
    %scan3A_24 = arith.constant 384 : i32
    %dma_wait3A = arith.constant 0 : i32
    %dma_wait3A_25 = tpu.memref_slice %arg2[%dma_wait3A] : memref<786432xi32, #tpu.memory_space<hbm>> -> memref<1024xi32, #tpu.memory_space<hbm>>
    %dma_wait3A_26 = arith.constant 0 : i32
    %dma_wait3A_27 = tpu.memref_slice %arg2[%dma_wait3A_26] : memref<786432xi32, #tpu.memory_space<hbm>> -> memref<1024xi32, #tpu.memory_space<hbm>>
    tpu.wait_dma2 semaphore(%arg14 : memref<!tpu.dma_semaphore, #tpu.memory_space<semaphore_mem>>) src(%dma_wait3A_27 : memref<1024xi32, #tpu.memory_space<hbm>>) dst(%arg8 : memref<1024xi32, #tpu.memory_space<vmem>>)
    %dma_wait3A_28 = arith.constant 0 : i32
    %dma_wait3A_29 = tpu.memref_slice %arg3[%dma_wait3A_28] : memref<786432xi32, #tpu.memory_space<hbm>> -> memref<1024xi32, #tpu.memory_space<hbm>>
    %dma_wait3A_30 = arith.constant 0 : i32
    %dma_wait3A_31 = tpu.memref_slice %arg3[%dma_wait3A_30] : memref<786432xi32, #tpu.memory_space<hbm>> -> memref<1024xi32, #tpu.memory_space<hbm>>
    tpu.wait_dma2 semaphore(%arg14 : memref<!tpu.dma_semaphore, #tpu.memory_space<semaphore_mem>>) src(%dma_wait3A_31 : memref<1024xi32, #tpu.memory_space<hbm>>) dst(%arg9 : memref<1024xi32, #tpu.memory_space<vmem>>)
    "tpu.region"() ({
      %run_scoped3A = tpu.sem_alloc : memref<!tpu.dma_semaphore, #tpu.memory_space<semaphore_mem>>
      %dma_start3A_32 = arith.constant 0 : i32
      %dma_start3A_33 = tpu.memref_slice %arg5[%add3A, %dma_start3A_32] : memref<32x98304xf32, #tpu.memory_space<hbm>> -> memref<1x98304xf32, #tpu.memory_space<hbm>>
      %dma_start3A_34 = tpu.memref_squeeze %dma_start3A_33 : memref<1x98304xf32, #tpu.memory_space<hbm>> -> memref<98304xf32, #tpu.memory_space<hbm>>
      %dma_start3A_35 = arith.constant 0 : i32
      %dma_start3A_36 = tpu.memref_slice %arg5[%add3A, %dma_start3A_35] : memref<32x98304xf32, #tpu.memory_space<hbm>> -> memref<1x98304xf32, #tpu.memory_space<hbm>>
      %dma_start3A_37 = tpu.memref_squeeze %dma_start3A_36 : memref<1x98304xf32, #tpu.memory_space<hbm>> -> memref<98304xf32, #tpu.memory_space<hbm>>
      tpu.enqueue_dma source(%arg12 : memref<98304xf32, #tpu.memory_space<vmem>>) target(%dma_start3A_37 : memref<98304xf32, #tpu.memory_space<hbm>>) target_semaphore(%run_scoped3A : memref<!tpu.dma_semaphore, #tpu.memory_space<semaphore_mem>>)
      %dma_wait3A_38 = arith.constant 0 : i32
      %dma_wait3A_39 = tpu.memref_slice %arg5[%add3A, %dma_wait3A_38] : memref<32x98304xf32, #tpu.memory_space<hbm>> -> memref<1x98304xf32, #tpu.memory_space<hbm>>
      %dma_wait3A_40 = tpu.memref_squeeze %dma_wait3A_39 : memref<1x98304xf32, #tpu.memory_space<hbm>> -> memref<98304xf32, #tpu.memory_space<hbm>>
      %dma_wait3A_41 = arith.constant 0 : i32
      %dma_wait3A_42 = tpu.memref_slice %arg5[%add3A, %dma_wait3A_41] : memref<32x98304xf32, #tpu.memory_space<hbm>> -> memref<1x98304xf32, #tpu.memory_space<hbm>>
      %dma_wait3A_43 = tpu.memref_squeeze %dma_wait3A_42 : memref<1x98304xf32, #tpu.memory_space<hbm>> -> memref<98304xf32, #tpu.memory_space<hbm>>
      tpu.wait_dma2 semaphore(%run_scoped3A : memref<!tpu.dma_semaphore, #tpu.memory_space<semaphore_mem>>) src(%arg12 : memref<98304xf32, #tpu.memory_space<vmem>>) dst(%dma_wait3A_43 : memref<98304xf32, #tpu.memory_space<hbm>>)
      tpu.yield
    }) : () -> ()
    "tpu.region"() ({
      %run_scoped3A = tpu.sem_alloc : memref<!tpu.dma_semaphore, #tpu.memory_space<semaphore_mem>>
      %dma_start3A_32 = arith.constant 0 : i32
      %dma_start3A_33 = tpu.memref_slice %arg6[%add3A, %dma_start3A_32] : memref<32x16512xf32, #tpu.memory_space<hbm>> -> memref<1x16512xf32, #tpu.memory_space<hbm>>
      %dma_start3A_34 = tpu.memref_squeeze %dma_start3A_33 : memref<1x16512xf32, #tpu.memory_space<hbm>> -> memref<16512xf32, #tpu.memory_space<hbm>>
      %dma_start3A_35 = arith.constant 0 : i32
      %dma_start3A_36 = tpu.memref_slice %arg6[%add3A, %dma_start3A_35] : memref<32x16512xf32, #tpu.memory_space<hbm>> -> memref<1x16512xf32, #tpu.memory_space<hbm>>
      %dma_start3A_37 = tpu.memref_squeeze %dma_start3A_36 : memref<1x16512xf32, #tpu.memory_space<hbm>> -> memref<16512xf32, #tpu.memory_space<hbm>>
      tpu.enqueue_dma source(%arg13 : memref<16512xf32, #tpu.memory_space<vmem>>) target(%dma_start3A_37 : memref<16512xf32, #tpu.memory_space<hbm>>) target_semaphore(%run_scoped3A : memref<!tpu.dma_semaphore, #tpu.memory_space<semaphore_mem>>)
      %dma_wait3A_38 = arith.constant 0 : i32
      %dma_wait3A_39 = tpu.memref_slice %arg6[%add3A, %dma_wait3A_38] : memref<32x16512xf32, #tpu.memory_space<hbm>> -> memref<1x16512xf32, #tpu.memory_space<hbm>>
      %dma_wait3A_40 = tpu.memref_squeeze %dma_wait3A_39 : memref<1x16512xf32, #tpu.memory_space<hbm>> -> memref<16512xf32, #tpu.memory_space<hbm>>
      %dma_wait3A_41 = arith.constant 0 : i32
      %dma_wait3A_42 = tpu.memref_slice %arg6[%add3A, %dma_wait3A_41] : memref<32x16512xf32, #tpu.memory_space<hbm>> -> memref<1x16512xf32, #tpu.memory_space<hbm>>
      %dma_wait3A_43 = tpu.memref_squeeze %dma_wait3A_42 : memref<1x16512xf32, #tpu.memory_space<hbm>> -> memref<16512xf32, #tpu.memory_space<hbm>>
      tpu.wait_dma2 semaphore(%run_scoped3A : memref<!tpu.dma_semaphore, #tpu.memory_space<semaphore_mem>>) src(%arg13 : memref<16512xf32, #tpu.memory_space<vmem>>) dst(%dma_wait3A_43 : memref<16512xf32, #tpu.memory_space<hbm>>)
      tpu.yield
    }) : () -> ()
    return
  }
}

module attributes {stable_mosaic.version = 14 : i64} {
  func.func @_table_kernel(%arg0: memref<1x64xf32, #tpu.memory_space<vmem>>, %arg1: memref<1x64xf32, #tpu.memory_space<vmem>>, %arg2: memref<64xf32, #tpu.memory_space<vmem>>, %arg3: memref<64xf32, #tpu.memory_space<vmem>>, %arg4: memref<64xf32, #tpu.memory_space<vmem>>, %arg5: memref<64xf32, #tpu.memory_space<vmem>>, %arg6: memref<64xf32, #tpu.memory_space<vmem>>, %arg7: memref<64xf32, #tpu.memory_space<vmem>>, %arg8: memref<64x64xf32, #tpu.memory_space<vmem>>, %arg9: memref<64xf32, #tpu.memory_space<vmem>>, %arg10: memref<64x64xf32, #tpu.memory_space<vmem>>, %arg11: memref<64xf32, #tpu.memory_space<vmem>>, %arg12: memref<64x64xf32, #tpu.memory_space<vmem>>, %arg13: memref<64xf32, #tpu.memory_space<vmem>>, %arg14: memref<2050x64xf32, #tpu.memory_space<vmem>>) attributes {dimension_semantics = [], scalar_prefetch = 0 : i64, scratch_operands = 0 : i64, tpu.core_type = #tpu.core_type<tc>} {
    %iota3A = tpu.iota {dimensions = array<i32: 0>} : vector<2050x1xi32>
    %gt3A = arith.constant 1024 : i32
    %gt3A_0 = vector.broadcast %gt3A : i32 to vector<2050x1xi32>
    %gt3A_1 = arith.cmpi sgt, %iota3A, %gt3A_0 : vector<2050x1xi32>
    %sub3A = arith.constant 1025 : i32
    %sub3A_2 = vector.broadcast %sub3A : i32 to vector<2050x1xi32>
    %sub3A_3 = arith.subi %iota3A, %sub3A_2 : vector<2050x1xi32>
    %select_n3A = arith.select %gt3A_1, %sub3A_3, %iota3A : vector<2050x1xi1>, vector<2050x1xi32>
    %convert_element_type3A = arith.sitofp %select_n3A : vector<2050x1xi32> to vector<2050x1xf32>
    %mul3A = arith.constant 9.765625E-4 : f32
    %mul3A_4 = vector.broadcast %mul3A : f32 to vector<2050x1xf32>
    %mul3A_5 = arith.mulf %convert_element_type3A, %mul3A_4 : vector<2050x1xf32>
    %get3A = arith.constant 0 : index
    %get3A_6 = arith.constant 0 : index
    %get3A_7 = vector.load %arg1[%get3A, %get3A_6] : memref<1x64xf32, #tpu.memory_space<vmem>>, vector<1x64xf32>
    %get3A_8 = arith.constant 0 : index
    %get3A_9 = arith.constant 0 : index
    %get3A_10 = vector.load %arg0[%get3A_8, %get3A_9] : memref<1x64xf32, #tpu.memory_space<vmem>>, vector<1x64xf32>
    %broadcast_in_dim3A = vector.shape_cast %gt3A_1 : vector<2050x1xi1> to vector<2050x1xi1>
    %broadcast_in_dim3A_11 = vector.broadcast %broadcast_in_dim3A : vector<2050x1xi1> to vector<2050x64xi1>
    %broadcast_in_dim3A_12 = vector.shape_cast %get3A_7 : vector<1x64xf32> to vector<1x64xf32>
    %broadcast_in_dim3A_13 = vector.broadcast %broadcast_in_dim3A_12 : vector<1x64xf32> to vector<2050x64xf32>
    %broadcast_in_dim3A_14 = vector.shape_cast %get3A_10 : vector<1x64xf32> to vector<1x64xf32>
    %broadcast_in_dim3A_15 = vector.broadcast %broadcast_in_dim3A_14 : vector<1x64xf32> to vector<2050x64xf32>
    %select_n3A_16 = arith.select %broadcast_in_dim3A_11, %broadcast_in_dim3A_13, %broadcast_in_dim3A_15 : vector<2050x64xi1>, vector<2050x64xf32>
    %get3A_17 = arith.constant 0 : index
    %get3A_18 = vector.load %arg3[%get3A_17] : memref<64xf32, #tpu.memory_space<vmem>>, vector<64xf32>
    %get3A_19 = arith.constant 0 : index
    %get3A_20 = vector.load %arg2[%get3A_19] : memref<64xf32, #tpu.memory_space<vmem>>, vector<64xf32>
    %broadcast_in_dim3A_21 = vector.shape_cast %gt3A_1 : vector<2050x1xi1> to vector<2050x1xi1>
    %broadcast_in_dim3A_22 = vector.broadcast %broadcast_in_dim3A_21 : vector<2050x1xi1> to vector<2050x64xi1>
    %broadcast_in_dim3A_23 = vector.shape_cast %get3A_18 : vector<64xf32> to vector<1x64xf32>
    %broadcast_in_dim3A_24 = vector.broadcast %broadcast_in_dim3A_23 : vector<1x64xf32> to vector<2050x64xf32>
    %broadcast_in_dim3A_25 = vector.shape_cast %get3A_20 : vector<64xf32> to vector<1x64xf32>
    %broadcast_in_dim3A_26 = vector.broadcast %broadcast_in_dim3A_25 : vector<1x64xf32> to vector<2050x64xf32>
    %select_n3A_27 = arith.select %broadcast_in_dim3A_22, %broadcast_in_dim3A_24, %broadcast_in_dim3A_26 : vector<2050x64xi1>, vector<2050x64xf32>
    %get3A_28 = arith.constant 0 : index
    %get3A_29 = vector.load %arg7[%get3A_28] : memref<64xf32, #tpu.memory_space<vmem>>, vector<64xf32>
    %get3A_30 = arith.constant 0 : index
    %get3A_31 = vector.load %arg6[%get3A_30] : memref<64xf32, #tpu.memory_space<vmem>>, vector<64xf32>
    %broadcast_in_dim3A_32 = vector.shape_cast %gt3A_1 : vector<2050x1xi1> to vector<2050x1xi1>
    %broadcast_in_dim3A_33 = vector.broadcast %broadcast_in_dim3A_32 : vector<2050x1xi1> to vector<2050x64xi1>
    %broadcast_in_dim3A_34 = vector.shape_cast %get3A_29 : vector<64xf32> to vector<1x64xf32>
    %broadcast_in_dim3A_35 = vector.broadcast %broadcast_in_dim3A_34 : vector<1x64xf32> to vector<2050x64xf32>
    %broadcast_in_dim3A_36 = vector.shape_cast %get3A_31 : vector<64xf32> to vector<1x64xf32>
    %broadcast_in_dim3A_37 = vector.broadcast %broadcast_in_dim3A_36 : vector<1x64xf32> to vector<2050x64xf32>
    %select_n3A_38 = arith.select %broadcast_in_dim3A_33, %broadcast_in_dim3A_35, %broadcast_in_dim3A_37 : vector<2050x64xi1>, vector<2050x64xf32>
    %mul3A_39 = vector.broadcast %mul3A_5 : vector<2050x1xf32> to vector<2050x64xf32>
    %mul3A_40 = arith.mulf %mul3A_39, %select_n3A_16 : vector<2050x64xf32>
    %add3A = arith.addf %mul3A_40, %select_n3A_27 : vector<2050x64xf32>
    %get3A_41 = arith.constant 0 : index
    %get3A_42 = vector.load %arg4[%get3A_41] : memref<64xf32, #tpu.memory_space<vmem>>, vector<64xf32>
    %get3A_43 = arith.constant 0 : index
    %get3A_44 = vector.load %arg5[%get3A_43] : memref<64xf32, #tpu.memory_space<vmem>>, vector<64xf32>
    %reduce_sum3A = arith.constant dense<0.000000e+00> : vector<2050xf32>
    %reduce_sum3A_45 = vector.multi_reduction <add>, %add3A, %reduce_sum3A [1] : vector<2050x64xf32> to vector<2050xf32>
    %broadcast_in_dim3A_46 = vector.shape_cast %reduce_sum3A_45 : vector<2050xf32> to vector<2050x1xf32>
    %div3A = arith.constant 6.400000e+01 : f32
    %div3A_47 = vector.broadcast %div3A : f32 to vector<2050x1xf32>
    %div3A_48 = arith.divf %broadcast_in_dim3A_46, %div3A_47 : vector<2050x1xf32>
    %sub3A_49 = vector.broadcast %div3A_48 : vector<2050x1xf32> to vector<2050x64xf32>
    %sub3A_50 = arith.subf %add3A, %sub3A_49 : vector<2050x64xf32>
    %integer_pow3A = arith.mulf %sub3A_50, %sub3A_50 : vector<2050x64xf32>
    %reduce_sum3A_51 = arith.constant dense<0.000000e+00> : vector<2050xf32>
    %reduce_sum3A_52 = vector.multi_reduction <add>, %integer_pow3A, %reduce_sum3A_51 [1] : vector<2050x64xf32> to vector<2050xf32>
    %broadcast_in_dim3A_53 = vector.shape_cast %reduce_sum3A_52 : vector<2050xf32> to vector<2050x1xf32>
    %div3A_54 = arith.constant 6.400000e+01 : f32
    %div3A_55 = vector.broadcast %div3A_54 : f32 to vector<2050x1xf32>
    %div3A_56 = arith.divf %broadcast_in_dim3A_53, %div3A_55 : vector<2050x1xf32>
    %sub3A_57 = vector.broadcast %div3A_48 : vector<2050x1xf32> to vector<2050x64xf32>
    %sub3A_58 = arith.subf %add3A, %sub3A_57 : vector<2050x64xf32>
    %add3A_59 = arith.constant 9.99999974E-6 : f32
    %add3A_60 = vector.broadcast %add3A_59 : f32 to vector<2050x1xf32>
    %add3A_61 = arith.addf %div3A_56, %add3A_60 : vector<2050x1xf32>
    %sqrt3A = math.sqrt %add3A_61 : vector<2050x1xf32>
    %div3A_62 = vector.broadcast %sqrt3A : vector<2050x1xf32> to vector<2050x64xf32>
    %div3A_63 = arith.divf %sub3A_58, %div3A_62 : vector<2050x64xf32>
    %broadcast_in_dim3A_64 = vector.shape_cast %get3A_42 : vector<64xf32> to vector<1x64xf32>
    %mul3A_65 = vector.broadcast %broadcast_in_dim3A_64 : vector<1x64xf32> to vector<2050x64xf32>
    %mul3A_66 = arith.mulf %div3A_63, %mul3A_65 : vector<2050x64xf32>
    %broadcast_in_dim3A_67 = vector.shape_cast %get3A_44 : vector<64xf32> to vector<1x64xf32>
    %add3A_68 = vector.broadcast %broadcast_in_dim3A_67 : vector<1x64xf32> to vector<2050x64xf32>
    %add3A_69 = arith.addf %mul3A_66, %add3A_68 : vector<2050x64xf32>
    %add3A_70 = arith.addf %add3A_69, %select_n3A_38 : vector<2050x64xf32>
    %get3A_71 = arith.constant 0 : index
    %get3A_72 = arith.constant 0 : index
    %get3A_73 = vector.load %arg8[%get3A_71, %get3A_72] : memref<64x64xf32, #tpu.memory_space<vmem>>, vector<64x64xf32>
    %get3A_74 = arith.constant 0 : index
    %get3A_75 = vector.load %arg9[%get3A_74] : memref<64xf32, #tpu.memory_space<vmem>>, vector<64xf32>
    %get3A_76 = arith.constant 0 : index
    %get3A_77 = arith.constant 0 : index
    %get3A_78 = vector.load %arg10[%get3A_76, %get3A_77] : memref<64x64xf32, #tpu.memory_space<vmem>>, vector<64x64xf32>
    %get3A_79 = arith.constant 0 : index
    %get3A_80 = vector.load %arg11[%get3A_79] : memref<64xf32, #tpu.memory_space<vmem>>, vector<64xf32>
    %get3A_81 = arith.constant 0 : index
    %get3A_82 = arith.constant 0 : index
    %get3A_83 = vector.load %arg12[%get3A_81, %get3A_82] : memref<64x64xf32, #tpu.memory_space<vmem>>, vector<64x64xf32>
    %get3A_84 = arith.constant 0 : index
    %get3A_85 = vector.load %arg13[%get3A_84] : memref<64xf32, #tpu.memory_space<vmem>>, vector<64xf32>
    %dot_general3A = arith.constant dense<0.000000e+00> : vector<2050x64xf32>
    %dot_general3A_86 = tpu.matmul %add3A_70, %get3A_73, %dot_general3A {dimension_numbers = #tpu.dot_dimension_numbers<[1], [0], [0], [1], [0, 0, 1, 1], [], []>, precision = #tpu.contract_precision<fp32>, transpose_lhs_hint = false} : vector<2050x64xf32>, vector<64x64xf32>, vector<2050x64xf32> -> vector<2050x64xf32>
    %broadcast_in_dim3A_87 = vector.shape_cast %get3A_75 : vector<64xf32> to vector<1x64xf32>
    %add3A_88 = vector.broadcast %broadcast_in_dim3A_87 : vector<1x64xf32> to vector<2050x64xf32>
    %add3A_89 = arith.addf %dot_general3A_86, %add3A_88 : vector<2050x64xf32>
    %max3A = arith.constant 0.000000e+00 : f32
    %max3A_90 = vector.broadcast %max3A : f32 to vector<2050x64xf32>
    %max3A_91 = arith.maximumf %add3A_89, %max3A_90 : vector<2050x64xf32>
    %dot_general3A_92 = arith.constant dense<0.000000e+00> : vector<2050x64xf32>
    %dot_general3A_93 = tpu.matmul %max3A_91, %get3A_78, %dot_general3A_92 {dimension_numbers = #tpu.dot_dimension_numbers<[1], [0], [0], [1], [0, 0, 1, 1], [], []>, precision = #tpu.contract_precision<fp32>, transpose_lhs_hint = false} : vector<2050x64xf32>, vector<64x64xf32>, vector<2050x64xf32> -> vector<2050x64xf32>
    %broadcast_in_dim3A_94 = vector.shape_cast %get3A_80 : vector<64xf32> to vector<1x64xf32>
    %add3A_95 = vector.broadcast %broadcast_in_dim3A_94 : vector<1x64xf32> to vector<2050x64xf32>
    %add3A_96 = arith.addf %dot_general3A_93, %add3A_95 : vector<2050x64xf32>
    %max3A_97 = arith.constant 0.000000e+00 : f32
    %max3A_98 = vector.broadcast %max3A_97 : f32 to vector<2050x64xf32>
    %max3A_99 = arith.maximumf %add3A_96, %max3A_98 : vector<2050x64xf32>
    %dot_general3A_100 = arith.constant dense<0.000000e+00> : vector<2050x64xf32>
    %dot_general3A_101 = tpu.matmul %max3A_99, %get3A_83, %dot_general3A_100 {dimension_numbers = #tpu.dot_dimension_numbers<[1], [0], [0], [1], [0, 0, 1, 1], [], []>, precision = #tpu.contract_precision<fp32>, transpose_lhs_hint = false} : vector<2050x64xf32>, vector<64x64xf32>, vector<2050x64xf32> -> vector<2050x64xf32>
    %broadcast_in_dim3A_102 = vector.shape_cast %get3A_85 : vector<64xf32> to vector<1x64xf32>
    %add3A_103 = vector.broadcast %broadcast_in_dim3A_102 : vector<1x64xf32> to vector<2050x64xf32>
    %add3A_104 = arith.addf %dot_general3A_101, %add3A_103 : vector<2050x64xf32>
    %add3A_105 = arith.addf %add3A, %add3A_104 : vector<2050x64xf32>
    %swap3A = arith.constant 0 : index
    %swap3A_106 = arith.constant 0 : index
    %swap3A_107 = vector.load %arg14[%swap3A, %swap3A_106] : memref<2050x64xf32, #tpu.memory_space<vmem>>, vector<2050x64xf32>
    tpu.vector_store %arg14[%swap3A, %swap3A_106], %add3A_105 {strides = array<i32>} : memref<2050x64xf32, #tpu.memory_space<vmem>>, vector<2050x64xf32>,
    return
  }
}

module attributes {stable_mosaic.version = 14 : i64} {
  func.func @_prep_kernel(%arg0: i32, %arg1: memref<512x128xf32, #tpu.memory_space<vmem>>, %arg2: memref<512x128xi32, #tpu.memory_space<vmem>>, %arg3: memref<512x128xi32, #tpu.memory_space<vmem>>, %arg4: memref<512x128xi32, #tpu.memory_space<vmem>>, %arg5: memref<512x128xi32, #tpu.memory_space<vmem>>) attributes {dimension_semantics = [#tpu.dimension_semantics<arbitrary>], iteration_bounds = array<i64: 12>, scalar_prefetch = 0 : i64, scratch_operands = 0 : i64, tpu.core_type = #tpu.core_type<tc>, window_params = [{transform_indices = @transform_0, window_bounds = array<i64: 512, 128>}, {transform_indices = @transform_1, window_bounds = array<i64: 512, 128>}, {transform_indices = @transform_2, window_bounds = array<i64: 512, 128>}, {transform_indices = @transform_3, window_bounds = array<i64: 512, 128>}, {transform_indices = @transform_4, window_bounds = array<i64: 512, 128>}]} {
    %ge3A = arith.constant 4 : i32
    %ge3A_0 = arith.cmpi sge, %arg0, %ge3A : i32
    %get3A = arith.constant 0 : index
    %get3A_1 = arith.constant 0 : index
    %get3A_2 = vector.load %arg1[%get3A, %get3A_1] : memref<512x128xf32, #tpu.memory_space<vmem>>, vector<512x128xf32>
    %mul3A = arith.constant 1.024000e+03 : f32
    %mul3A_3 = vector.broadcast %mul3A : f32 to vector<512x128xf32>
    %mul3A_4 = arith.mulf %get3A_2, %mul3A_3 : vector<512x128xf32>
    %convert_element_type3A = arith.fptosi %mul3A_4 : vector<512x128xf32> to vector<512x128xi32>
    %min3A = arith.constant 1023 : i32
    %min3A_5 = vector.broadcast %min3A : i32 to vector<512x128xi32>
    %min3A_6 = arith.minsi %convert_element_type3A, %min3A_5 : vector<512x128xi32>
    %convert_element_type3A_7 = arith.sitofp %min3A_6 : vector<512x128xi32> to vector<512x128xf32>
    %sub3A = arith.subf %mul3A_4, %convert_element_type3A_7 : vector<512x128xf32>
    %mul3A_8 = arith.constant 3.276700e+04 : f32
    %mul3A_9 = vector.broadcast %mul3A_8 : f32 to vector<512x128xf32>
    %mul3A_10 = arith.mulf %sub3A, %mul3A_9 : vector<512x128xf32>
    %convert_element_type3A_11 = arith.fptosi %mul3A_10 : vector<512x128xf32> to vector<512x128xi32>
    %get3A_12 = arith.constant 0 : index
    %get3A_13 = arith.constant 0 : index
    %get3A_14 = vector.load %arg2[%get3A_12, %get3A_13] : memref<512x128xi32, #tpu.memory_space<vmem>>, vector<512x128xi32>
    %mul3A_15 = arith.constant 4096 : i32
    %mul3A_16 = vector.broadcast %mul3A_15 : i32 to vector<512x128xi32>
    %mul3A_17 = arith.muli %get3A_14, %mul3A_16 : vector<512x128xi32>
    %get3A_18 = arith.constant 0 : index
    %get3A_19 = arith.constant 0 : index
    %get3A_20 = vector.load %arg3[%get3A_18, %get3A_19] : memref<512x128xi32, #tpu.memory_space<vmem>>, vector<512x128xi32>
    %add3A = arith.addi %mul3A_17, %get3A_20 : vector<512x128xi32>
    %shift_left3A = arith.constant 15 : i32
    %shift_left3A_21 = vector.broadcast %shift_left3A : i32 to vector<512x128xi32>
    %shift_left3A_22 = arith.shli %convert_element_type3A_11, %shift_left3A_21 : vector<512x128xi32>
    %or3A = arith.ori %add3A, %shift_left3A_22 : vector<512x128xi32>
    %swap3A = arith.constant 0 : index
    %swap3A_23 = arith.constant 0 : index
    %swap3A_24 = vector.load %arg4[%swap3A, %swap3A_23] : memref<512x128xi32, #tpu.memory_space<vmem>>, vector<512x128xi32>
    tpu.vector_store %arg4[%swap3A, %swap3A_23], %or3A {strides = array<i32>} : memref<512x128xi32, #tpu.memory_space<vmem>>, vector<512x128xi32>,
    %add3A_25 = arith.constant 1025 : i32
    %add3A_26 = vector.broadcast %add3A_25 : i32 to vector<512x128xi32>
    %add3A_27 = arith.addi %min3A_6, %add3A_26 : vector<512x128xi32>
    %select_n3A = arith.select %ge3A_0, %add3A_27, %min3A_6 : vector<512x128xi32>
    %swap3A_28 = arith.constant 0 : index
    %swap3A_29 = arith.constant 0 : index
    %swap3A_30 = vector.load %arg5[%swap3A_28, %swap3A_29] : memref<512x128xi32, #tpu.memory_space<vmem>>, vector<512x128xi32>
    tpu.vector_store %arg5[%swap3A_28, %swap3A_29], %select_n3A {strides = array<i32>} : memref<512x128xi32, #tpu.memory_space<vmem>>, vector<512x128xi32>,
    return
  }
  func.func @transform_0(%arg0: i32) -> (i32, i32) {
    %c0_i32 = arith.constant 0 : i32
    %c0_i32_0 = arith.constant 0 : i32
    return %arg0, %c0_i32 : i32, i32
  }
  func.func @transform_1(%arg0: i32) -> (i32, i32) {
    %c0_i32 = arith.constant 0 : i32
    %c0_i32_0 = arith.constant 0 : i32
    return %arg0, %c0_i32 : i32, i32
  }
  func.func @transform_2(%arg0: i32) -> (i32, i32) {
    %c0_i32 = arith.constant 0 : i32
    %c0_i32_0 = arith.constant 0 : i32
    return %arg0, %c0_i32 : i32, i32
  }
  func.func @transform_3(%arg0: i32) -> (i32, i32) {
    %c0_i32 = arith.constant 0 : i32
    %c0_i32_0 = arith.constant 0 : i32
    return %arg0, %c0_i32 : i32, i32
  }
  func.func @transform_4(%arg0: i32) -> (i32, i32) {
    %c0_i32 = arith.constant 0 : i32
    %c0_i32_0 = arith.constant 0 : i32
    return %arg0, %c0_i32 : i32, i32
  }
}

module attributes {stable_mosaic.version = 14 : i64} {
  func.func @_tok_kernel(%arg0: i32, %arg1: memref<2048x128xf32, #tpu.memory_space<vmem>>, %arg2: memref<128x64xf32, #tpu.memory_space<vmem>>, %arg3: memref<64xf32, #tpu.memory_space<vmem>>, %arg4: memref<64xf32, #tpu.memory_space<vmem>>, %arg5: memref<64xf32, #tpu.memory_space<vmem>>, %arg6: memref<64xf32, #tpu.memory_space<vmem>>, %arg7: memref<64x64xf32, #tpu.memory_space<vmem>>, %arg8: memref<64xf32, #tpu.memory_space<vmem>>, %arg9: memref<64x64xf32, #tpu.memory_space<vmem>>, %arg10: memref<64xf32, #tpu.memory_space<vmem>>, %arg11: memref<64x64xf32, #tpu.memory_space<vmem>>, %arg12: memref<64xf32, #tpu.memory_space<vmem>>, %arg13: memref<2048x64xf32, #tpu.memory_space<vmem>>, %arg14: memref<2048x64xf32, #tpu.memory_space<vmem>>, %arg15: memref<1x1x64xf32, #tpu.memory_space<vmem>>) attributes {dimension_semantics = [#tpu.dimension_semantics<arbitrary>], iteration_bounds = array<i64: 16>, scalar_prefetch = 0 : i64, scratch_operands = 0 : i64, tpu.core_type = #tpu.core_type<tc>, window_params = [{transform_indices = @transform_0, window_bounds = array<i64: 2048, 128>}, {pipeline_mode = #tpu.pipeline_mode<synchronous>, transform_indices = @transform_1, window_bounds = array<i64: 128, 64>}, {pipeline_mode = #tpu.pipeline_mode<synchronous>, transform_indices = @transform_2, window_bounds = array<i64: 64>}, {pipeline_mode = #tpu.pipeline_mode<synchronous>, transform_indices = @transform_3, window_bounds = array<i64: 64>}, {pipeline_mode = #tpu.pipeline_mode<synchronous>, transform_indices = @transform_4, window_bounds = array<i64: 64>}, {pipeline_mode = #tpu.pipeline_mode<synchronous>, transform_indices = @transform_5, window_bounds = array<i64: 64>}, {pipeline_mode = #tpu.pipeline_mode<synchronous>, transform_indices = @transform_6, window_bounds = array<i64: 64, 64>}, {pipeline_mode = #tpu.pipeline_mode<synchronous>, transform_indices = @transform_7, window_bounds = array<i64: 64>}, {pipeline_mode = #tpu.pipeline_mode<synchronous>, transform_indices = @transform_8, window_bounds = array<i64: 64, 64>}, {pipeline_mode = #tpu.pipeline_mode<synchronous>, transform_indices = @transform_9, window_bounds = array<i64: 64>}, {pipeline_mode = #tpu.pipeline_mode<synchronous>, transform_indices = @transform_10, window_bounds = array<i64: 64, 64>}, {pipeline_mode = #tpu.pipeline_mode<synchronous>, transform_indices = @transform_11, window_bounds = array<i64: 64>}, {transform_indices = @transform_12, window_bounds = array<i64: 2048, 64>}, {transform_indices = @transform_13, window_bounds = array<i64: 2048, 64>}, {transform_indices = @transform_14, window_bounds = array<i64: 1, 1, 64>}]} {
    %get3A = arith.constant 0 : index
    %get3A_0 = arith.constant 0 : index
    %get3A_1 = vector.load %arg1[%get3A, %get3A_0] : memref<2048x128xf32, #tpu.memory_space<vmem>>, vector<2048x128xf32>
    %get3A_2 = arith.constant 0 : index
    %get3A_3 = arith.constant 0 : index
    %get3A_4 = vector.load %arg2[%get3A_2, %get3A_3] : memref<128x64xf32, #tpu.memory_space<vmem>>, vector<128x64xf32>
    %dot_general3A = arith.constant dense<0.000000e+00> : vector<2048x64xf32>
    %dot_general3A_5 = tpu.matmul %get3A_1, %get3A_4, %dot_general3A {dimension_numbers = #tpu.dot_dimension_numbers<[1], [0], [0], [1], [0, 0, 1, 1], [], []>, precision = #tpu.contract_precision<fp32>, transpose_lhs_hint = false} : vector<2048x128xf32>, vector<128x64xf32>, vector<2048x64xf32> -> vector<2048x64xf32>
    %get3A_6 = arith.constant 0 : index
    %get3A_7 = vector.load %arg3[%get3A_6] : memref<64xf32, #tpu.memory_space<vmem>>, vector<64xf32>
    %broadcast_in_dim3A = vector.shape_cast %get3A_7 : vector<64xf32> to vector<1x64xf32>
    %add3A = vector.broadcast %broadcast_in_dim3A : vector<1x64xf32> to vector<2048x64xf32>
    %add3A_8 = arith.addf %dot_general3A_5, %add3A : vector<2048x64xf32>
    %swap3A = arith.constant 0 : index
    %swap3A_9 = arith.constant 0 : index
    %swap3A_10 = vector.load %arg14[%swap3A, %swap3A_9] : memref<2048x64xf32, #tpu.memory_space<vmem>>, vector<2048x64xf32>
    tpu.vector_store %arg14[%swap3A, %swap3A_9], %add3A_8 {strides = array<i32>} : memref<2048x64xf32, #tpu.memory_space<vmem>>, vector<2048x64xf32>,
    %get3A_11 = arith.constant 0 : index
    %get3A_12 = vector.load %arg4[%get3A_11] : memref<64xf32, #tpu.memory_space<vmem>>, vector<64xf32>
    %get3A_13 = arith.constant 0 : index
    %get3A_14 = vector.load %arg5[%get3A_13] : memref<64xf32, #tpu.memory_space<vmem>>, vector<64xf32>
    %reduce_sum3A = arith.constant dense<0.000000e+00> : vector<2048xf32>
    %reduce_sum3A_15 = vector.multi_reduction <add>, %add3A_8, %reduce_sum3A [1] : vector<2048x64xf32> to vector<2048xf32>
    %broadcast_in_dim3A_16 = vector.shape_cast %reduce_sum3A_15 : vector<2048xf32> to vector<2048x1xf32>
    %div3A = arith.constant 6.400000e+01 : f32
    %div3A_17 = vector.broadcast %div3A : f32 to vector<2048x1xf32>
    %div3A_18 = arith.divf %broadcast_in_dim3A_16, %div3A_17 : vector<2048x1xf32>
    %sub3A = vector.broadcast %div3A_18 : vector<2048x1xf32> to vector<2048x64xf32>
    %sub3A_19 = arith.subf %add3A_8, %sub3A : vector<2048x64xf32>
    %integer_pow3A = arith.mulf %sub3A_19, %sub3A_19 : vector<2048x64xf32>
    %reduce_sum3A_20 = arith.constant dense<0.000000e+00> : vector<2048xf32>
    %reduce_sum3A_21 = vector.multi_reduction <add>, %integer_pow3A, %reduce_sum3A_20 [1] : vector<2048x64xf32> to vector<2048xf32>
    %broadcast_in_dim3A_22 = vector.shape_cast %reduce_sum3A_21 : vector<2048xf32> to vector<2048x1xf32>
    %div3A_23 = arith.constant 6.400000e+01 : f32
    %div3A_24 = vector.broadcast %div3A_23 : f32 to vector<2048x1xf32>
    %div3A_25 = arith.divf %broadcast_in_dim3A_22, %div3A_24 : vector<2048x1xf32>
    %sub3A_26 = vector.broadcast %div3A_18 : vector<2048x1xf32> to vector<2048x64xf32>
    %sub3A_27 = arith.subf %add3A_8, %sub3A_26 : vector<2048x64xf32>
    %add3A_28 = arith.constant 9.99999974E-6 : f32
    %add3A_29 = vector.broadcast %add3A_28 : f32 to vector<2048x1xf32>
    %add3A_30 = arith.addf %div3A_25, %add3A_29 : vector<2048x1xf32>
    %sqrt3A = math.sqrt %add3A_30 : vector<2048x1xf32>
    %div3A_31 = vector.broadcast %sqrt3A : vector<2048x1xf32> to vector<2048x64xf32>
    %div3A_32 = arith.divf %sub3A_27, %div3A_31 : vector<2048x64xf32>
    %broadcast_in_dim3A_33 = vector.shape_cast %get3A_12 : vector<64xf32> to vector<1x64xf32>
    %mul3A = vector.broadcast %broadcast_in_dim3A_33 : vector<1x64xf32> to vector<2048x64xf32>
    %mul3A_34 = arith.mulf %div3A_32, %mul3A : vector<2048x64xf32>
    %broadcast_in_dim3A_35 = vector.shape_cast %get3A_14 : vector<64xf32> to vector<1x64xf32>
    %add3A_36 = vector.broadcast %broadcast_in_dim3A_35 : vector<1x64xf32> to vector<2048x64xf32>
    %add3A_37 = arith.addf %mul3A_34, %add3A_36 : vector<2048x64xf32>
    %get3A_38 = arith.constant 0 : index
    %get3A_39 = vector.load %arg6[%get3A_38] : memref<64xf32, #tpu.memory_space<vmem>>, vector<64xf32>
    %broadcast_in_dim3A_40 = vector.shape_cast %get3A_39 : vector<64xf32> to vector<1x64xf32>
    %add3A_41 = vector.broadcast %broadcast_in_dim3A_40 : vector<1x64xf32> to vector<2048x64xf32>
    %add3A_42 = arith.addf %add3A_37, %add3A_41 : vector<2048x64xf32>
    %get3A_43 = arith.constant 0 : index
    %get3A_44 = arith.constant 0 : index
    %get3A_45 = vector.load %arg7[%get3A_43, %get3A_44] : memref<64x64xf32, #tpu.memory_space<vmem>>, vector<64x64xf32>
    %get3A_46 = arith.constant 0 : index
    %get3A_47 = vector.load %arg8[%get3A_46] : memref<64xf32, #tpu.memory_space<vmem>>, vector<64xf32>
    %get3A_48 = arith.constant 0 : index
    %get3A_49 = arith.constant 0 : index
    %get3A_50 = vector.load %arg9[%get3A_48, %get3A_49] : memref<64x64xf32, #tpu.memory_space<vmem>>, vector<64x64xf32>
    %get3A_51 = arith.constant 0 : index
    %get3A_52 = vector.load %arg10[%get3A_51] : memref<64xf32, #tpu.memory_space<vmem>>, vector<64xf32>
    %get3A_53 = arith.constant 0 : index
    %get3A_54 = arith.constant 0 : index
    %get3A_55 = vector.load %arg11[%get3A_53, %get3A_54] : memref<64x64xf32, #tpu.memory_space<vmem>>, vector<64x64xf32>
    %get3A_56 = arith.constant 0 : index
    %get3A_57 = vector.load %arg12[%get3A_56] : memref<64xf32, #tpu.memory_space<vmem>>, vector<64xf32>
    %dot_general3A_58 = arith.constant dense<0.000000e+00> : vector<2048x64xf32>
    %dot_general3A_59 = tpu.matmul %add3A_42, %get3A_45, %dot_general3A_58 {dimension_numbers = #tpu.dot_dimension_numbers<[1], [0], [0], [1], [0, 0, 1, 1], [], []>, precision = #tpu.contract_precision<fp32>, transpose_lhs_hint = false} : vector<2048x64xf32>, vector<64x64xf32>, vector<2048x64xf32> -> vector<2048x64xf32>
    %broadcast_in_dim3A_60 = vector.shape_cast %get3A_47 : vector<64xf32> to vector<1x64xf32>
    %add3A_61 = vector.broadcast %broadcast_in_dim3A_60 : vector<1x64xf32> to vector<2048x64xf32>
    %add3A_62 = arith.addf %dot_general3A_59, %add3A_61 : vector<2048x64xf32>
    %max3A = arith.constant 0.000000e+00 : f32
    %max3A_63 = vector.broadcast %max3A : f32 to vector<2048x64xf32>
    %max3A_64 = arith.maximumf %add3A_62, %max3A_63 : vector<2048x64xf32>
    %dot_general3A_65 = arith.constant dense<0.000000e+00> : vector<2048x64xf32>
    %dot_general3A_66 = tpu.matmul %max3A_64, %get3A_50, %dot_general3A_65 {dimension_numbers = #tpu.dot_dimension_numbers<[1], [0], [0], [1], [0, 0, 1, 1], [], []>, precision = #tpu.contract_precision<fp32>, transpose_lhs_hint = false} : vector<2048x64xf32>, vector<64x64xf32>, vector<2048x64xf32> -> vector<2048x64xf32>
    %broadcast_in_dim3A_67 = vector.shape_cast %get3A_52 : vector<64xf32> to vector<1x64xf32>
    %add3A_68 = vector.broadcast %broadcast_in_dim3A_67 : vector<1x64xf32> to vector<2048x64xf32>
    %add3A_69 = arith.addf %dot_general3A_66, %add3A_68 : vector<2048x64xf32>
    %max3A_70 = arith.constant 0.000000e+00 : f32
    %max3A_71 = vector.broadcast %max3A_70 : f32 to vector<2048x64xf32>
    %max3A_72 = arith.maximumf %add3A_69, %max3A_71 : vector<2048x64xf32>
    %dot_general3A_73 = arith.constant dense<0.000000e+00> : vector<2048x64xf32>
    %dot_general3A_74 = tpu.matmul %max3A_72, %get3A_55, %dot_general3A_73 {dimension_numbers = #tpu.dot_dimension_numbers<[1], [0], [0], [1], [0, 0, 1, 1], [], []>, precision = #tpu.contract_precision<fp32>, transpose_lhs_hint = false} : vector<2048x64xf32>, vector<64x64xf32>, vector<2048x64xf32> -> vector<2048x64xf32>
    %broadcast_in_dim3A_75 = vector.shape_cast %get3A_57 : vector<64xf32> to vector<1x64xf32>
    %add3A_76 = vector.broadcast %broadcast_in_dim3A_75 : vector<1x64xf32> to vector<2048x64xf32>
    %add3A_77 = arith.addf %dot_general3A_74, %add3A_76 : vector<2048x64xf32>
    %add3A_78 = arith.addf %add3A_8, %add3A_77 : vector<2048x64xf32>
    %swap3A_79 = arith.constant 0 : index
    %swap3A_80 = arith.constant 0 : index
    %swap3A_81 = vector.load %arg13[%swap3A_79, %swap3A_80] : memref<2048x64xf32, #tpu.memory_space<vmem>>, vector<2048x64xf32>
    tpu.vector_store %arg13[%swap3A_79, %swap3A_80], %add3A_78 {strides = array<i32>} : memref<2048x64xf32, #tpu.memory_space<vmem>>, vector<2048x64xf32>,
    %reduce_sum3A_82 = arith.constant dense<0.000000e+00> : vector<64xf32>
    %reduce_sum3A_83 = vector.multi_reduction <add>, %add3A_78, %reduce_sum3A_82 [0] : vector<2048x64xf32> to vector<64xf32>
    %swap3A_84 = arith.constant 0 : index
    %swap3A_85 = arith.constant 0 : index
    %swap3A_86 = arith.constant 0 : index
    %swap3A_87 = vector.load %arg15[%swap3A_84, %swap3A_85, %swap3A_86] : memref<1x1x64xf32, #tpu.memory_space<vmem>>, vector<1x1x64xf32>
    %swap3A_88 = vector.shape_cast %swap3A_87 : vector<1x1x64xf32> to vector<64xf32>
    %swap3A_89 = vector.shape_cast %reduce_sum3A_83 : vector<64xf32> to vector<1x1x64xf32>
    tpu.vector_store %arg15[%swap3A_84, %swap3A_85, %swap3A_86], %swap3A_89 {strides = array<i32>} : memref<1x1x64xf32, #tpu.memory_space<vmem>>, vector<1x1x64xf32>,
    return
  }
  func.func @transform_0(%arg0: i32) -> (i32, i32) {
    %c0_i32 = arith.constant 0 : i32
    %c0_i32_0 = arith.constant 0 : i32
    return %arg0, %c0_i32 : i32, i32
  }
  func.func @transform_1(%arg0: i32) -> (i32, i32) {
    %c0_i32 = arith.constant 0 : i32
    %c0_i32_0 = arith.constant 0 : i32
    %c0_i32_1 = arith.constant 0 : i32
    return %c0_i32, %c0_i32_0 : i32, i32
  }
  func.func @transform_2(%arg0: i32) -> i32 {
    %c0_i32 = arith.constant 0 : i32
    %c0_i32_0 = arith.constant 0 : i32
    return %c0_i32 : i32
  }
  func.func @transform_3(%arg0: i32) -> i32 {
    %c0_i32 = arith.constant 0 : i32
    %c0_i32_0 = arith.constant 0 : i32
    return %c0_i32 : i32
  }
  func.func @transform_4(%arg0: i32) -> i32 {
    %c0_i32 = arith.constant 0 : i32
    %c0_i32_0 = arith.constant 0 : i32
    return %c0_i32 : i32
  }
  func.func @transform_5(%arg0: i32) -> i32 {
    %c0_i32 = arith.constant 0 : i32
    %c0_i32_0 = arith.constant 0 : i32
    return %c0_i32 : i32
  }
  func.func @transform_6(%arg0: i32) -> (i32, i32) {
    %c0_i32 = arith.constant 0 : i32
    %c0_i32_0 = arith.constant 0 : i32
    %c0_i32_1 = arith.constant 0 : i32
    return %c0_i32, %c0_i32_0 : i32, i32
  }
  func.func @transform_7(%arg0: i32) -> i32 {
    %c0_i32 = arith.constant 0 : i32
    %c0_i32_0 = arith.constant 0 : i32
    return %c0_i32 : i32
  }
  func.func @transform_8(%arg0: i32) -> (i32, i32) {
    %c0_i32 = arith.constant 0 : i32
    %c0_i32_0 = arith.constant 0 : i32
    %c0_i32_1 = arith.constant 0 : i32
    return %c0_i32, %c0_i32_0 : i32, i32
  }
  func.func @transform_9(%arg0: i32) -> i32 {
    %c0_i32 = arith.constant 0 : i32
    %c0_i32_0 = arith.constant 0 : i32
    return %c0_i32 : i32
  }
  func.func @transform_10(%arg0: i32) -> (i32, i32) {
    %c0_i32 = arith.constant 0 : i32
    %c0_i32_0 = arith.constant 0 : i32
    %c0_i32_1 = arith.constant 0 : i32
    return %c0_i32, %c0_i32_0 : i32, i32
  }
  func.func @transform_11(%arg0: i32) -> i32 {
    %c0_i32 = arith.constant 0 : i32
    %c0_i32_0 = arith.constant 0 : i32
    return %c0_i32 : i32
  }
  func.func @transform_12(%arg0: i32) -> (i32, i32) {
    %c0_i32 = arith.constant 0 : i32
    %c0_i32_0 = arith.constant 0 : i32
    return %arg0, %c0_i32 : i32, i32
  }
  func.func @transform_13(%arg0: i32) -> (i32, i32) {
    %c0_i32 = arith.constant 0 : i32
    %c0_i32_0 = arith.constant 0 : i32
    return %arg0, %c0_i32 : i32, i32
  }
  func.func @transform_14(%arg0: i32) -> (i32, i32, i32) {
    %c0_i32 = arith.constant 0 : i32
    %c0_i32_0 = arith.constant 0 : i32
    %c0_i32_1 = arith.constant 0 : i32
    return %arg0, %c0_i32, %c0_i32_0 : i32, i32, i32
  }
}

module attributes {stable_mosaic.version = 14 : i64} {
  func.func @_x0_kernel(%arg0: memref<1x8x2064xf32, #tpu.memory_space<vmem>>, %arg1: memref<1025x64xf32, #tpu.memory_space<vmem>>, %arg2: memref<1025x64xf32, #tpu.memory_space<vmem>>, %arg3: memref<8x2x64xf32, #tpu.memory_space<vmem>>, %arg4: memref<64xf32, #tpu.memory_space<vmem>>, %arg5: memref<64xf32, #tpu.memory_space<vmem>>, %arg6: memref<64xf32, #tpu.memory_space<vmem>>, %arg7: memref<64x64xf32, #tpu.memory_space<vmem>>, %arg8: memref<64xf32, #tpu.memory_space<vmem>>, %arg9: memref<64x64xf32, #tpu.memory_space<vmem>>, %arg10: memref<64xf32, #tpu.memory_space<vmem>>, %arg11: memref<64x64xf32, #tpu.memory_space<vmem>>, %arg12: memref<64xf32, #tpu.memory_space<vmem>>, %arg13: memref<8x64xf32, #tpu.memory_space<vmem>>) attributes {dimension_semantics = [], scalar_prefetch = 0 : i64, scratch_operands = 0 : i64, tpu.core_type = #tpu.core_type<tc>} {
    %get3A = arith.constant 0 : index
    %get3A_0 = arith.constant 0 : index
    %get3A_1 = arith.constant 0 : index
    %get3A_2 = vector.load %arg0[%get3A, %get3A_0, %get3A_1] : memref<1x8x2064xf32, #tpu.memory_space<vmem>>, vector<1x8x2064xf32>
    %reduce_sum3A = arith.constant dense<0.000000e+00> : vector<8x2064xf32>
    %reduce_sum3A_3 = vector.multi_reduction <add>, %get3A_2, %reduce_sum3A [0] : vector<1x8x2064xf32> to vector<8x2064xf32>
    %slice3A = vector.extract_strided_slice %reduce_sum3A_3 {offsets = [0, 0], sizes = [8, 1025], strides = [1, 1]} : vector<8x2064xf32> to vector<8x1025xf32>
    %slice3A_4 = vector.extract_strided_slice %reduce_sum3A_3 {offsets = [0, 1025], sizes = [8, 1025], strides = [1, 1]} : vector<8x2064xf32> to vector<8x1025xf32>
    %get3A_5 = arith.constant 0 : index
    %get3A_6 = arith.constant 0 : index
    %get3A_7 = vector.load %arg1[%get3A_5, %get3A_6] : memref<1025x64xf32, #tpu.memory_space<vmem>>, vector<1025x64xf32>
    %dot_general3A = arith.constant dense<0.000000e+00> : vector<8x64xf32>
    %dot_general3A_8 = tpu.matmul %slice3A, %get3A_7, %dot_general3A {dimension_numbers = #tpu.dot_dimension_numbers<[1], [0], [0], [1], [0, 0, 1, 1], [], []>, precision = #tpu.contract_precision<fp32>, transpose_lhs_hint = false} : vector<8x1025xf32>, vector<1025x64xf32>, vector<8x64xf32> -> vector<8x64xf32>
    %get3A_9 = arith.constant 0 : index
    %get3A_10 = arith.constant 0 : index
    %get3A_11 = vector.load %arg2[%get3A_9, %get3A_10] : memref<1025x64xf32, #tpu.memory_space<vmem>>, vector<1025x64xf32>
    %dot_general3A_12 = arith.constant dense<0.000000e+00> : vector<8x64xf32>
    %dot_general3A_13 = tpu.matmul %slice3A_4, %get3A_11, %dot_general3A_12 {dimension_numbers = #tpu.dot_dimension_numbers<[1], [0], [0], [1], [0, 0, 1, 1], [], []>, precision = #tpu.contract_precision<fp32>, transpose_lhs_hint = false} : vector<8x1025xf32>, vector<1025x64xf32>, vector<8x64xf32> -> vector<8x64xf32>
    %reduce_sum3A_14 = arith.constant dense<0.000000e+00> : vector<8xf32>
    %reduce_sum3A_15 = vector.multi_reduction <add>, %slice3A, %reduce_sum3A_14 [1] : vector<8x1025xf32> to vector<8xf32>
    %broadcast_in_dim3A = vector.shape_cast %reduce_sum3A_15 : vector<8xf32> to vector<8x1xf32>
    %reduce_sum3A_16 = arith.constant dense<0.000000e+00> : vector<8xf32>
    %reduce_sum3A_17 = vector.multi_reduction <add>, %slice3A_4, %reduce_sum3A_16 [1] : vector<8x1025xf32> to vector<8xf32>
    %broadcast_in_dim3A_18 = vector.shape_cast %reduce_sum3A_17 : vector<8xf32> to vector<8x1xf32>
    %get3A_19 = arith.constant 0 : index
    %get3A_20 = arith.constant 0 : index
    %get3A_21 = arith.constant 0 : index
    %get3A_22 = vector.load %arg3[%get3A_19, %get3A_20, %get3A_21] : memref<8x2x64xf32, #tpu.memory_space<vmem>>, vector<8x2x64xf32>
    %reduce_sum3A_23 = arith.constant dense<0.000000e+00> : vector<8x64xf32>
    %reduce_sum3A_24 = vector.multi_reduction <add>, %get3A_22, %reduce_sum3A_23 [1] : vector<8x2x64xf32> to vector<8x64xf32>
    %mul3A = arith.constant 5.000000e-01 : f32
    %mul3A_25 = vector.broadcast %mul3A : f32 to vector<8x64xf32>
    %mul3A_26 = arith.mulf %dot_general3A_8, %mul3A_25 : vector<8x64xf32>
    %add3A = arith.addf %reduce_sum3A_24, %mul3A_26 : vector<8x64xf32>
    %mul3A_27 = arith.constant 0.333333343 : f32
    %mul3A_28 = vector.broadcast %mul3A_27 : f32 to vector<8x64xf32>
    %mul3A_29 = arith.mulf %dot_general3A_13, %mul3A_28 : vector<8x64xf32>
    %add3A_30 = arith.addf %add3A, %mul3A_29 : vector<8x64xf32>
    %add3A_31 = arith.constant 4.096000e+03 : f32
    %add3A_32 = vector.broadcast %add3A_31 : f32 to vector<8x1xf32>
    %add3A_33 = arith.addf %add3A_32, %broadcast_in_dim3A : vector<8x1xf32>
    %add3A_34 = arith.addf %add3A_33, %broadcast_in_dim3A_18 : vector<8x1xf32>
    %div3A = vector.broadcast %add3A_34 : vector<8x1xf32> to vector<8x64xf32>
    %div3A_35 = arith.divf %add3A_30, %div3A : vector<8x64xf32>
    %get3A_36 = arith.constant 0 : index
    %get3A_37 = vector.load %arg4[%get3A_36] : memref<64xf32, #tpu.memory_space<vmem>>, vector<64xf32>
    %get3A_38 = arith.constant 0 : index
    %get3A_39 = vector.load %arg5[%get3A_38] : memref<64xf32, #tpu.memory_space<vmem>>, vector<64xf32>
    %reduce_sum3A_40 = arith.constant dense<0.000000e+00> : vector<8xf32>
    %reduce_sum3A_41 = vector.multi_reduction <add>, %div3A_35, %reduce_sum3A_40 [1] : vector<8x64xf32> to vector<8xf32>
    %broadcast_in_dim3A_42 = vector.shape_cast %reduce_sum3A_41 : vector<8xf32> to vector<8x1xf32>
    %div3A_43 = arith.constant 6.400000e+01 : f32
    %div3A_44 = vector.broadcast %div3A_43 : f32 to vector<8x1xf32>
    %div3A_45 = arith.divf %broadcast_in_dim3A_42, %div3A_44 : vector<8x1xf32>
    %sub3A = vector.broadcast %div3A_45 : vector<8x1xf32> to vector<8x64xf32>
    %sub3A_46 = arith.subf %div3A_35, %sub3A : vector<8x64xf32>
    %integer_pow3A = arith.mulf %sub3A_46, %sub3A_46 : vector<8x64xf32>
    %reduce_sum3A_47 = arith.constant dense<0.000000e+00> : vector<8xf32>
    %reduce_sum3A_48 = vector.multi_reduction <add>, %integer_pow3A, %reduce_sum3A_47 [1] : vector<8x64xf32> to vector<8xf32>
    %broadcast_in_dim3A_49 = vector.shape_cast %reduce_sum3A_48 : vector<8xf32> to vector<8x1xf32>
    %div3A_50 = arith.constant 6.400000e+01 : f32
    %div3A_51 = vector.broadcast %div3A_50 : f32 to vector<8x1xf32>
    %div3A_52 = arith.divf %broadcast_in_dim3A_49, %div3A_51 : vector<8x1xf32>
    %sub3A_53 = vector.broadcast %div3A_45 : vector<8x1xf32> to vector<8x64xf32>
    %sub3A_54 = arith.subf %div3A_35, %sub3A_53 : vector<8x64xf32>
    %add3A_55 = arith.constant 9.99999974E-6 : f32
    %add3A_56 = vector.broadcast %add3A_55 : f32 to vector<8x1xf32>
    %add3A_57 = arith.addf %div3A_52, %add3A_56 : vector<8x1xf32>
    %sqrt3A = math.sqrt %add3A_57 : vector<8x1xf32>
    %div3A_58 = vector.broadcast %sqrt3A : vector<8x1xf32> to vector<8x64xf32>
    %div3A_59 = arith.divf %sub3A_54, %div3A_58 : vector<8x64xf32>
    %broadcast_in_dim3A_60 = vector.shape_cast %get3A_37 : vector<64xf32> to vector<1x64xf32>
    %mul3A_61 = vector.broadcast %broadcast_in_dim3A_60 : vector<1x64xf32> to vector<8x64xf32>
    %mul3A_62 = arith.mulf %div3A_59, %mul3A_61 : vector<8x64xf32>
    %broadcast_in_dim3A_63 = vector.shape_cast %get3A_39 : vector<64xf32> to vector<1x64xf32>
    %add3A_64 = vector.broadcast %broadcast_in_dim3A_63 : vector<1x64xf32> to vector<8x64xf32>
    %add3A_65 = arith.addf %mul3A_62, %add3A_64 : vector<8x64xf32>
    %get3A_66 = arith.constant 0 : index
    %get3A_67 = vector.load %arg6[%get3A_66] : memref<64xf32, #tpu.memory_space<vmem>>, vector<64xf32>
    %broadcast_in_dim3A_68 = vector.shape_cast %get3A_67 : vector<64xf32> to vector<1x64xf32>
    %add3A_69 = vector.broadcast %broadcast_in_dim3A_68 : vector<1x64xf32> to vector<8x64xf32>
    %add3A_70 = arith.addf %add3A_65, %add3A_69 : vector<8x64xf32>
    %get3A_71 = arith.constant 0 : index
    %get3A_72 = arith.constant 0 : index
    %get3A_73 = vector.load %arg7[%get3A_71, %get3A_72] : memref<64x64xf32, #tpu.memory_space<vmem>>, vector<64x64xf32>
    %get3A_74 = arith.constant 0 : index
    %get3A_75 = vector.load %arg8[%get3A_74] : memref<64xf32, #tpu.memory_space<vmem>>, vector<64xf32>
    %get3A_76 = arith.constant 0 : index
    %get3A_77 = arith.constant 0 : index
    %get3A_78 = vector.load %arg9[%get3A_76, %get3A_77] : memref<64x64xf32, #tpu.memory_space<vmem>>, vector<64x64xf32>
    %get3A_79 = arith.constant 0 : index
    %get3A_80 = vector.load %arg10[%get3A_79] : memref<64xf32, #tpu.memory_space<vmem>>, vector<64xf32>
    %get3A_81 = arith.constant 0 : index
    %get3A_82 = arith.constant 0 : index
    %get3A_83 = vector.load %arg11[%get3A_81, %get3A_82] : memref<64x64xf32, #tpu.memory_space<vmem>>, vector<64x64xf32>
    %get3A_84 = arith.constant 0 : index
    %get3A_85 = vector.load %arg12[%get3A_84] : memref<64xf32, #tpu.memory_space<vmem>>, vector<64xf32>
    %dot_general3A_86 = arith.constant dense<0.000000e+00> : vector<8x64xf32>
    %dot_general3A_87 = tpu.matmul %add3A_70, %get3A_73, %dot_general3A_86 {dimension_numbers = #tpu.dot_dimension_numbers<[1], [0], [0], [1], [0, 0, 1, 1], [], []>, precision = #tpu.contract_precision<fp32>, transpose_lhs_hint = false} : vector<8x64xf32>, vector<64x64xf32>, vector<8x64xf32> -> vector<8x64xf32>
    %broadcast_in_dim3A_88 = vector.shape_cast %get3A_75 : vector<64xf32> to vector<1x64xf32>
    %add3A_89 = vector.broadcast %broadcast_in_dim3A_88 : vector<1x64xf32> to vector<8x64xf32>
    %add3A_90 = arith.addf %dot_general3A_87, %add3A_89 : vector<8x64xf32>
    %max3A = arith.constant 0.000000e+00 : f32
    %max3A_91 = vector.broadcast %max3A : f32 to vector<8x64xf32>
    %max3A_92 = arith.maximumf %add3A_90, %max3A_91 : vector<8x64xf32>
    %dot_general3A_93 = arith.constant dense<0.000000e+00> : vector<8x64xf32>
    %dot_general3A_94 = tpu.matmul %max3A_92, %get3A_78, %dot_general3A_93 {dimension_numbers = #tpu.dot_dimension_numbers<[1], [0], [0], [1], [0, 0, 1, 1], [], []>, precision = #tpu.contract_precision<fp32>, transpose_lhs_hint = false} : vector<8x64xf32>, vector<64x64xf32>, vector<8x64xf32> -> vector<8x64xf32>
    %broadcast_in_dim3A_95 = vector.shape_cast %get3A_80 : vector<64xf32> to vector<1x64xf32>
    %add3A_96 = vector.broadcast %broadcast_in_dim3A_95 : vector<1x64xf32> to vector<8x64xf32>
    %add3A_97 = arith.addf %dot_general3A_94, %add3A_96 : vector<8x64xf32>
    %max3A_98 = arith.constant 0.000000e+00 : f32
    %max3A_99 = vector.broadcast %max3A_98 : f32 to vector<8x64xf32>
    %max3A_100 = arith.maximumf %add3A_97, %max3A_99 : vector<8x64xf32>
    %dot_general3A_101 = arith.constant dense<0.000000e+00> : vector<8x64xf32>
    %dot_general3A_102 = tpu.matmul %max3A_100, %get3A_83, %dot_general3A_101 {dimension_numbers = #tpu.dot_dimension_numbers<[1], [0], [0], [1], [0, 0, 1, 1], [], []>, precision = #tpu.contract_precision<fp32>, transpose_lhs_hint = false} : vector<8x64xf32>, vector<64x64xf32>, vector<8x64xf32> -> vector<8x64xf32>
    %broadcast_in_dim3A_103 = vector.shape_cast %get3A_85 : vector<64xf32> to vector<1x64xf32>
    %add3A_104 = vector.broadcast %broadcast_in_dim3A_103 : vector<1x64xf32> to vector<8x64xf32>
    %add3A_105 = arith.addf %dot_general3A_102, %add3A_104 : vector<8x64xf32>
    %add3A_106 = arith.addf %div3A_35, %add3A_105 : vector<8x64xf32>
    %swap3A = arith.constant 0 : index
    %swap3A_107 = arith.constant 0 : index
    %swap3A_108 = vector.load %arg13[%swap3A, %swap3A_107] : memref<8x64xf32, #tpu.memory_space<vmem>>, vector<8x64xf32>
    tpu.vector_store %arg13[%swap3A, %swap3A_107], %add3A_106 {strides = array<i32>} : memref<8x64xf32, #tpu.memory_space<vmem>>, vector<8x64xf32>,
    return
  }
}

module attributes {stable_mosaic.version = 14 : i64} {
  func.func @_combine_kernel(%arg0: i32, %arg1: i32, %arg2: memref<1x2048x64xf32, #tpu.memory_space<vmem>>, %arg3: memref<1x2048x64xf32, #tpu.memory_space<vmem>>, %arg4: memref<1x2048x65xf32, #tpu.memory_space<vmem>>, %arg5: memref<1x1x64xf32, #tpu.memory_space<vmem>>, %arg6: memref<64xf32, #tpu.memory_space<vmem>>, %arg7: memref<64xf32, #tpu.memory_space<vmem>>, %arg8: memref<64xf32, #tpu.memory_space<vmem>>, %arg9: memref<64x64xf32, #tpu.memory_space<vmem>>, %arg10: memref<64xf32, #tpu.memory_space<vmem>>, %arg11: memref<64x64xf32, #tpu.memory_space<vmem>>, %arg12: memref<64xf32, #tpu.memory_space<vmem>>, %arg13: memref<64x64xf32, #tpu.memory_space<vmem>>, %arg14: memref<64xf32, #tpu.memory_space<vmem>>, %arg15: memref<64xf32, #tpu.memory_space<vmem>>, %arg16: memref<64xf32, #tpu.memory_space<vmem>>, %arg17: memref<64x64xf32, #tpu.memory_space<vmem>>, %arg18: memref<64xf32, #tpu.memory_space<vmem>>, %arg19: memref<64x64xf32, #tpu.memory_space<vmem>>, %arg20: memref<64xf32, #tpu.memory_space<vmem>>, %arg21: memref<64x64xf32, #tpu.memory_space<vmem>>, %arg22: memref<64xf32, #tpu.memory_space<vmem>>, %arg23: memref<64x64xf32, #tpu.memory_space<vmem>>, %arg24: memref<64xf32, #tpu.memory_space<vmem>>, %arg25: memref<1x2048x64xf32, #tpu.memory_space<vmem>>) attributes {dimension_semantics = [#tpu.dimension_semantics<arbitrary>, #tpu.dimension_semantics<arbitrary>], iteration_bounds = array<i64: 8, 2>, scalar_prefetch = 0 : i64, scratch_operands = 0 : i64, tpu.core_type = #tpu.core_type<tc>, window_params = [{transform_indices = @transform_0, window_bounds = array<i64: 1, 2048, 64>}, {transform_indices = @transform_1, window_bounds = array<i64: 1, 2048, 64>}, {transform_indices = @transform_2, window_bounds = array<i64: 1, 2048, 65>}, {transform_indices = @transform_3, window_bounds = array<i64: 1, 1, 64>}, {pipeline_mode = #tpu.pipeline_mode<synchronous>, transform_indices = @transform_4, window_bounds = array<i64: 64>}, {pipeline_mode = #tpu.pipeline_mode<synchronous>, transform_indices = @transform_5, window_bounds = array<i64: 64>}, {pipeline_mode = #tpu.pipeline_mode<synchronous>, transform_indices = @transform_6, window_bounds = array<i64: 64>}, {pipeline_mode = #tpu.pipeline_mode<synchronous>, transform_indices = @transform_7, window_bounds = array<i64: 64, 64>}, {pipeline_mode = #tpu.pipeline_mode<synchronous>, transform_indices = @transform_8, window_bounds = array<i64: 64>}, {pipeline_mode = #tpu.pipeline_mode<synchronous>, transform_indices = @transform_9, window_bounds = array<i64: 64, 64>}, {pipeline_mode = #tpu.pipeline_mode<synchronous>, transform_indices = @transform_10, window_bounds = array<i64: 64>}, {pipeline_mode = #tpu.pipeline_mode<synchronous>, transform_indices = @transform_11, window_bounds = array<i64: 64, 64>}, {pipeline_mode = #tpu.pipeline_mode<synchronous>, transform_indices = @transform_12, window_bounds = array<i64: 64>}, {pipeline_mode = #tpu.pipeline_mode<synchronous>, transform_indices = @transform_13, window_bounds = array<i64: 64>}, {pipeline_mode = #tpu.pipeline_mode<synchronous>, transform_indices = @transform_14, window_bounds = array<i64: 64>}, {pipeline_mode = #tpu.pipeline_mode<synchronous>, transform_indices = @transform_15, window_bounds = array<i64: 64, 64>}, {pipeline_mode = #tpu.pipeline_mode<synchronous>, transform_indices = @transform_16, window_bounds = array<i64: 64>}, {pipeline_mode = #tpu.pipeline_mode<synchronous>, transform_indices = @transform_17, window_bounds = array<i64: 64, 64>}, {pipeline_mode = #tpu.pipeline_mode<synchronous>, transform_indices = @transform_18, window_bounds = array<i64: 64>}, {pipeline_mode = #tpu.pipeline_mode<synchronous>, transform_indices = @transform_19, window_bounds = array<i64: 64, 64>}, {pipeline_mode = #tpu.pipeline_mode<synchronous>, transform_indices = @transform_20, window_bounds = array<i64: 64>}, {pipeline_mode = #tpu.pipeline_mode<synchronous>, transform_indices = @transform_21, window_bounds = array<i64: 64, 64>}, {pipeline_mode = #tpu.pipeline_mode<synchronous>, transform_indices = @transform_22, window_bounds = array<i64: 64>}, {transform_indices = @transform_23, window_bounds = array<i64: 1, 2048, 64>}]} {
    %get3A = arith.constant 0 : index
    %get3A_0 = arith.constant 0 : index
    %get3A_1 = arith.constant 0 : index
    %get3A_2 = vector.load %arg2[%get3A, %get3A_0, %get3A_1] : memref<1x2048x64xf32, #tpu.memory_space<vmem>>, vector<1x2048x64xf32>
    %get3A_3 = vector.shape_cast %get3A_2 : vector<1x2048x64xf32> to vector<2048x64xf32>
    %get3A_4 = arith.constant 0 : index
    %get3A_5 = arith.constant 0 : index
    %get3A_6 = arith.constant 0 : index
    %get3A_7 = vector.load %arg4[%get3A_4, %get3A_5, %get3A_6] : memref<1x2048x65xf32, #tpu.memory_space<vmem>>, vector<1x2048x65xf32>
    %get3A_8 = vector.shape_cast %get3A_7 : vector<1x2048x65xf32> to vector<2048x65xf32>
    %slice3A = vector.extract_strided_slice %get3A_8 {offsets = [0, 0], sizes = [2048, 64], strides = [1, 1]} : vector<2048x65xf32> to vector<2048x64xf32>
    %add3A = arith.addf %get3A_3, %slice3A : vector<2048x64xf32>
    %slice3A_9 = vector.extract_strided_slice %get3A_8 {offsets = [0, 64], sizes = [2048, 1], strides = [1, 1]} : vector<2048x65xf32> to vector<2048x1xf32>
    %add3A_10 = arith.constant 1.000000e+00 : f32
    %add3A_11 = vector.broadcast %add3A_10 : f32 to vector<2048x1xf32>
    %add3A_12 = arith.addf %add3A_11, %slice3A_9 : vector<2048x1xf32>
    %div3A = vector.broadcast %add3A_12 : vector<2048x1xf32> to vector<2048x64xf32>
    %div3A_13 = arith.divf %add3A, %div3A : vector<2048x64xf32>
    %get3A_14 = arith.constant 0 : index
    %get3A_15 = vector.load %arg6[%get3A_14] : memref<64xf32, #tpu.memory_space<vmem>>, vector<64xf32>
    %get3A_16 = arith.constant 0 : index
    %get3A_17 = vector.load %arg7[%get3A_16] : memref<64xf32, #tpu.memory_space<vmem>>, vector<64xf32>
    %reduce_sum3A = arith.constant dense<0.000000e+00> : vector<2048xf32>
    %reduce_sum3A_18 = vector.multi_reduction <add>, %div3A_13, %reduce_sum3A [1] : vector<2048x64xf32> to vector<2048xf32>
    %broadcast_in_dim3A = vector.shape_cast %reduce_sum3A_18 : vector<2048xf32> to vector<2048x1xf32>
    %div3A_19 = arith.constant 6.400000e+01 : f32
    %div3A_20 = vector.broadcast %div3A_19 : f32 to vector<2048x1xf32>
    %div3A_21 = arith.divf %broadcast_in_dim3A, %div3A_20 : vector<2048x1xf32>
    %sub3A = vector.broadcast %div3A_21 : vector<2048x1xf32> to vector<2048x64xf32>
    %sub3A_22 = arith.subf %div3A_13, %sub3A : vector<2048x64xf32>
    %integer_pow3A = arith.mulf %sub3A_22, %sub3A_22 : vector<2048x64xf32>
    %reduce_sum3A_23 = arith.constant dense<0.000000e+00> : vector<2048xf32>
    %reduce_sum3A_24 = vector.multi_reduction <add>, %integer_pow3A, %reduce_sum3A_23 [1] : vector<2048x64xf32> to vector<2048xf32>
    %broadcast_in_dim3A_25 = vector.shape_cast %reduce_sum3A_24 : vector<2048xf32> to vector<2048x1xf32>
    %div3A_26 = arith.constant 6.400000e+01 : f32
    %div3A_27 = vector.broadcast %div3A_26 : f32 to vector<2048x1xf32>
    %div3A_28 = arith.divf %broadcast_in_dim3A_25, %div3A_27 : vector<2048x1xf32>
    %sub3A_29 = vector.broadcast %div3A_21 : vector<2048x1xf32> to vector<2048x64xf32>
    %sub3A_30 = arith.subf %div3A_13, %sub3A_29 : vector<2048x64xf32>
    %add3A_31 = arith.constant 9.99999974E-6 : f32
    %add3A_32 = vector.broadcast %add3A_31 : f32 to vector<2048x1xf32>
    %add3A_33 = arith.addf %div3A_28, %add3A_32 : vector<2048x1xf32>
    %sqrt3A = math.sqrt %add3A_33 : vector<2048x1xf32>
    %div3A_34 = vector.broadcast %sqrt3A : vector<2048x1xf32> to vector<2048x64xf32>
    %div3A_35 = arith.divf %sub3A_30, %div3A_34 : vector<2048x64xf32>
    %broadcast_in_dim3A_36 = vector.shape_cast %get3A_15 : vector<64xf32> to vector<1x64xf32>
    %mul3A = vector.broadcast %broadcast_in_dim3A_36 : vector<1x64xf32> to vector<2048x64xf32>
    %mul3A_37 = arith.mulf %div3A_35, %mul3A : vector<2048x64xf32>
    %broadcast_in_dim3A_38 = vector.shape_cast %get3A_17 : vector<64xf32> to vector<1x64xf32>
    %add3A_39 = vector.broadcast %broadcast_in_dim3A_38 : vector<1x64xf32> to vector<2048x64xf32>
    %add3A_40 = arith.addf %mul3A_37, %add3A_39 : vector<2048x64xf32>
    %get3A_41 = arith.constant 0 : index
    %get3A_42 = vector.load %arg8[%get3A_41] : memref<64xf32, #tpu.memory_space<vmem>>, vector<64xf32>
    %broadcast_in_dim3A_43 = vector.shape_cast %get3A_42 : vector<64xf32> to vector<1x64xf32>
    %add3A_44 = vector.broadcast %broadcast_in_dim3A_43 : vector<1x64xf32> to vector<2048x64xf32>
    %add3A_45 = arith.addf %add3A_40, %add3A_44 : vector<2048x64xf32>
    %get3A_46 = arith.constant 0 : index
    %get3A_47 = arith.constant 0 : index
    %get3A_48 = vector.load %arg9[%get3A_46, %get3A_47] : memref<64x64xf32, #tpu.memory_space<vmem>>, vector<64x64xf32>
    %get3A_49 = arith.constant 0 : index
    %get3A_50 = vector.load %arg10[%get3A_49] : memref<64xf32, #tpu.memory_space<vmem>>, vector<64xf32>
    %get3A_51 = arith.constant 0 : index
    %get3A_52 = arith.constant 0 : index
    %get3A_53 = vector.load %arg11[%get3A_51, %get3A_52] : memref<64x64xf32, #tpu.memory_space<vmem>>, vector<64x64xf32>
    %get3A_54 = arith.constant 0 : index
    %get3A_55 = vector.load %arg12[%get3A_54] : memref<64xf32, #tpu.memory_space<vmem>>, vector<64xf32>
    %get3A_56 = arith.constant 0 : index
    %get3A_57 = arith.constant 0 : index
    %get3A_58 = vector.load %arg13[%get3A_56, %get3A_57] : memref<64x64xf32, #tpu.memory_space<vmem>>, vector<64x64xf32>
    %get3A_59 = arith.constant 0 : index
    %get3A_60 = vector.load %arg14[%get3A_59] : memref<64xf32, #tpu.memory_space<vmem>>, vector<64xf32>
    %dot_general3A = arith.constant dense<0.000000e+00> : vector<2048x64xf32>
    %dot_general3A_61 = tpu.matmul %add3A_45, %get3A_48, %dot_general3A {dimension_numbers = #tpu.dot_dimension_numbers<[1], [0], [0], [1], [0, 0, 1, 1], [], []>, precision = #tpu.contract_precision<fp32>, transpose_lhs_hint = false} : vector<2048x64xf32>, vector<64x64xf32>, vector<2048x64xf32> -> vector<2048x64xf32>
    %broadcast_in_dim3A_62 = vector.shape_cast %get3A_50 : vector<64xf32> to vector<1x64xf32>
    %add3A_63 = vector.broadcast %broadcast_in_dim3A_62 : vector<1x64xf32> to vector<2048x64xf32>
    %add3A_64 = arith.addf %dot_general3A_61, %add3A_63 : vector<2048x64xf32>
    %max3A = arith.constant 0.000000e+00 : f32
    %max3A_65 = vector.broadcast %max3A : f32 to vector<2048x64xf32>
    %max3A_66 = arith.maximumf %add3A_64, %max3A_65 : vector<2048x64xf32>
    %dot_general3A_67 = arith.constant dense<0.000000e+00> : vector<2048x64xf32>
    %dot_general3A_68 = tpu.matmul %max3A_66, %get3A_53, %dot_general3A_67 {dimension_numbers = #tpu.dot_dimension_numbers<[1], [0], [0], [1], [0, 0, 1, 1], [], []>, precision = #tpu.contract_precision<fp32>, transpose_lhs_hint = false} : vector<2048x64xf32>, vector<64x64xf32>, vector<2048x64xf32> -> vector<2048x64xf32>
    %broadcast_in_dim3A_69 = vector.shape_cast %get3A_55 : vector<64xf32> to vector<1x64xf32>
    %add3A_70 = vector.broadcast %broadcast_in_dim3A_69 : vector<1x64xf32> to vector<2048x64xf32>
    %add3A_71 = arith.addf %dot_general3A_68, %add3A_70 : vector<2048x64xf32>
    %max3A_72 = arith.constant 0.000000e+00 : f32
    %max3A_73 = vector.broadcast %max3A_72 : f32 to vector<2048x64xf32>
    %max3A_74 = arith.maximumf %add3A_71, %max3A_73 : vector<2048x64xf32>
    %dot_general3A_75 = arith.constant dense<0.000000e+00> : vector<2048x64xf32>
    %dot_general3A_76 = tpu.matmul %max3A_74, %get3A_58, %dot_general3A_75 {dimension_numbers = #tpu.dot_dimension_numbers<[1], [0], [0], [1], [0, 0, 1, 1], [], []>, precision = #tpu.contract_precision<fp32>, transpose_lhs_hint = false} : vector<2048x64xf32>, vector<64x64xf32>, vector<2048x64xf32> -> vector<2048x64xf32>
    %broadcast_in_dim3A_77 = vector.shape_cast %get3A_60 : vector<64xf32> to vector<1x64xf32>
    %add3A_78 = vector.broadcast %broadcast_in_dim3A_77 : vector<1x64xf32> to vector<2048x64xf32>
    %add3A_79 = arith.addf %dot_general3A_76, %add3A_78 : vector<2048x64xf32>
    %add3A_80 = arith.addf %div3A_13, %add3A_79 : vector<2048x64xf32>
    %get3A_81 = arith.constant 0 : index
    %get3A_82 = arith.constant 0 : index
    %get3A_83 = arith.constant 0 : index
    %get3A_84 = vector.load %arg5[%get3A_81, %get3A_82, %get3A_83] : memref<1x1x64xf32, #tpu.memory_space<vmem>>, vector<1x1x64xf32>
    %get3A_85 = vector.shape_cast %get3A_84 : vector<1x1x64xf32> to vector<1x64xf32>
    %add3A_86 = vector.broadcast %get3A_85 : vector<1x64xf32> to vector<2048x64xf32>
    %add3A_87 = arith.addf %add3A_86, %add3A_80 : vector<2048x64xf32>
    %get3A_88 = arith.constant 0 : index
    %get3A_89 = vector.load %arg15[%get3A_88] : memref<64xf32, #tpu.memory_space<vmem>>, vector<64xf32>
    %get3A_90 = arith.constant 0 : index
    %get3A_91 = vector.load %arg16[%get3A_90] : memref<64xf32, #tpu.memory_space<vmem>>, vector<64xf32>
    %reduce_sum3A_92 = arith.constant dense<0.000000e+00> : vector<2048xf32>
    %reduce_sum3A_93 = vector.multi_reduction <add>, %add3A_87, %reduce_sum3A_92 [1] : vector<2048x64xf32> to vector<2048xf32>
    %broadcast_in_dim3A_94 = vector.shape_cast %reduce_sum3A_93 : vector<2048xf32> to vector<2048x1xf32>
    %div3A_95 = arith.constant 6.400000e+01 : f32
    %div3A_96 = vector.broadcast %div3A_95 : f32 to vector<2048x1xf32>
    %div3A_97 = arith.divf %broadcast_in_dim3A_94, %div3A_96 : vector<2048x1xf32>
    %sub3A_98 = vector.broadcast %div3A_97 : vector<2048x1xf32> to vector<2048x64xf32>
    %sub3A_99 = arith.subf %add3A_87, %sub3A_98 : vector<2048x64xf32>
    %integer_pow3A_100 = arith.mulf %sub3A_99, %sub3A_99 : vector<2048x64xf32>
    %reduce_sum3A_101 = arith.constant dense<0.000000e+00> : vector<2048xf32>
    %reduce_sum3A_102 = vector.multi_reduction <add>, %integer_pow3A_100, %reduce_sum3A_101 [1] : vector<2048x64xf32> to vector<2048xf32>
    %broadcast_in_dim3A_103 = vector.shape_cast %reduce_sum3A_102 : vector<2048xf32> to vector<2048x1xf32>
    %div3A_104 = arith.constant 6.400000e+01 : f32
    %div3A_105 = vector.broadcast %div3A_104 : f32 to vector<2048x1xf32>
    %div3A_106 = arith.divf %broadcast_in_dim3A_103, %div3A_105 : vector<2048x1xf32>
    %sub3A_107 = vector.broadcast %div3A_97 : vector<2048x1xf32> to vector<2048x64xf32>
    %sub3A_108 = arith.subf %add3A_87, %sub3A_107 : vector<2048x64xf32>
    %add3A_109 = arith.constant 9.99999974E-6 : f32
    %add3A_110 = vector.broadcast %add3A_109 : f32 to vector<2048x1xf32>
    %add3A_111 = arith.addf %div3A_106, %add3A_110 : vector<2048x1xf32>
    %sqrt3A_112 = math.sqrt %add3A_111 : vector<2048x1xf32>
    %div3A_113 = vector.broadcast %sqrt3A_112 : vector<2048x1xf32> to vector<2048x64xf32>
    %div3A_114 = arith.divf %sub3A_108, %div3A_113 : vector<2048x64xf32>
    %broadcast_in_dim3A_115 = vector.shape_cast %get3A_89 : vector<64xf32> to vector<1x64xf32>
    %mul3A_116 = vector.broadcast %broadcast_in_dim3A_115 : vector<1x64xf32> to vector<2048x64xf32>
    %mul3A_117 = arith.mulf %div3A_114, %mul3A_116 : vector<2048x64xf32>
    %broadcast_in_dim3A_118 = vector.shape_cast %get3A_91 : vector<64xf32> to vector<1x64xf32>
    %add3A_119 = vector.broadcast %broadcast_in_dim3A_118 : vector<1x64xf32> to vector<2048x64xf32>
    %add3A_120 = arith.addf %mul3A_117, %add3A_119 : vector<2048x64xf32>
    %get3A_121 = arith.constant 0 : index
    %get3A_122 = arith.constant 0 : index
    %get3A_123 = vector.load %arg17[%get3A_121, %get3A_122] : memref<64x64xf32, #tpu.memory_space<vmem>>, vector<64x64xf32>
    %get3A_124 = arith.constant 0 : index
    %get3A_125 = vector.load %arg18[%get3A_124] : memref<64xf32, #tpu.memory_space<vmem>>, vector<64xf32>
    %get3A_126 = arith.constant 0 : index
    %get3A_127 = arith.constant 0 : index
    %get3A_128 = vector.load %arg19[%get3A_126, %get3A_127] : memref<64x64xf32, #tpu.memory_space<vmem>>, vector<64x64xf32>
    %get3A_129 = arith.constant 0 : index
    %get3A_130 = vector.load %arg20[%get3A_129] : memref<64xf32, #tpu.memory_space<vmem>>, vector<64xf32>
    %get3A_131 = arith.constant 0 : index
    %get3A_132 = arith.constant 0 : index
    %get3A_133 = vector.load %arg21[%get3A_131, %get3A_132] : memref<64x64xf32, #tpu.memory_space<vmem>>, vector<64x64xf32>
    %get3A_134 = arith.constant 0 : index
    %get3A_135 = vector.load %arg22[%get3A_134] : memref<64xf32, #tpu.memory_space<vmem>>, vector<64xf32>
    %dot_general3A_136 = arith.constant dense<0.000000e+00> : vector<2048x64xf32>
    %dot_general3A_137 = tpu.matmul %add3A_120, %get3A_123, %dot_general3A_136 {dimension_numbers = #tpu.dot_dimension_numbers<[1], [0], [0], [1], [0, 0, 1, 1], [], []>, precision = #tpu.contract_precision<fp32>, transpose_lhs_hint = false} : vector<2048x64xf32>, vector<64x64xf32>, vector<2048x64xf32> -> vector<2048x64xf32>
    %broadcast_in_dim3A_138 = vector.shape_cast %get3A_125 : vector<64xf32> to vector<1x64xf32>
    %add3A_139 = vector.broadcast %broadcast_in_dim3A_138 : vector<1x64xf32> to vector<2048x64xf32>
    %add3A_140 = arith.addf %dot_general3A_137, %add3A_139 : vector<2048x64xf32>
    %max3A_141 = arith.constant 0.000000e+00 : f32
    %max3A_142 = vector.broadcast %max3A_141 : f32 to vector<2048x64xf32>
    %max3A_143 = arith.maximumf %add3A_140, %max3A_142 : vector<2048x64xf32>
    %dot_general3A_144 = arith.constant dense<0.000000e+00> : vector<2048x64xf32>
    %dot_general3A_145 = tpu.matmul %max3A_143, %get3A_128, %dot_general3A_144 {dimension_numbers = #tpu.dot_dimension_numbers<[1], [0], [0], [1], [0, 0, 1, 1], [], []>, precision = #tpu.contract_precision<fp32>, transpose_lhs_hint = false} : vector<2048x64xf32>, vector<64x64xf32>, vector<2048x64xf32> -> vector<2048x64xf32>
    %broadcast_in_dim3A_146 = vector.shape_cast %get3A_130 : vector<64xf32> to vector<1x64xf32>
    %add3A_147 = vector.broadcast %broadcast_in_dim3A_146 : vector<1x64xf32> to vector<2048x64xf32>
    %add3A_148 = arith.addf %dot_general3A_145, %add3A_147 : vector<2048x64xf32>
    %max3A_149 = arith.constant 0.000000e+00 : f32
    %max3A_150 = vector.broadcast %max3A_149 : f32 to vector<2048x64xf32>
    %max3A_151 = arith.maximumf %add3A_148, %max3A_150 : vector<2048x64xf32>
    %dot_general3A_152 = arith.constant dense<0.000000e+00> : vector<2048x64xf32>
    %dot_general3A_153 = tpu.matmul %max3A_151, %get3A_133, %dot_general3A_152 {dimension_numbers = #tpu.dot_dimension_numbers<[1], [0], [0], [1], [0, 0, 1, 1], [], []>, precision = #tpu.contract_precision<fp32>, transpose_lhs_hint = false} : vector<2048x64xf32>, vector<64x64xf32>, vector<2048x64xf32> -> vector<2048x64xf32>
    %broadcast_in_dim3A_154 = vector.shape_cast %get3A_135 : vector<64xf32> to vector<1x64xf32>
    %add3A_155 = vector.broadcast %broadcast_in_dim3A_154 : vector<1x64xf32> to vector<2048x64xf32>
    %add3A_156 = arith.addf %dot_general3A_153, %add3A_155 : vector<2048x64xf32>
    %add3A_157 = arith.addf %add3A_87, %add3A_156 : vector<2048x64xf32>
    %get3A_158 = arith.constant 0 : index
    %get3A_159 = arith.constant 0 : index
    %get3A_160 = arith.constant 0 : index
    %get3A_161 = vector.load %arg3[%get3A_158, %get3A_159, %get3A_160] : memref<1x2048x64xf32, #tpu.memory_space<vmem>>, vector<1x2048x64xf32>
    %get3A_162 = vector.shape_cast %get3A_161 : vector<1x2048x64xf32> to vector<2048x64xf32>
    %add3A_163 = arith.addf %get3A_162, %add3A_157 : vector<2048x64xf32>
    %get3A_164 = arith.constant 0 : index
    %get3A_165 = arith.constant 0 : index
    %get3A_166 = vector.load %arg23[%get3A_164, %get3A_165] : memref<64x64xf32, #tpu.memory_space<vmem>>, vector<64x64xf32>
    %dot_general3A_167 = arith.constant dense<0.000000e+00> : vector<2048x64xf32>
    %dot_general3A_168 = tpu.matmul %add3A_163, %get3A_166, %dot_general3A_167 {dimension_numbers = #tpu.dot_dimension_numbers<[1], [0], [0], [1], [0, 0, 1, 1], [], []>, precision = #tpu.contract_precision<fp32>, transpose_lhs_hint = false} : vector<2048x64xf32>, vector<64x64xf32>, vector<2048x64xf32> -> vector<2048x64xf32>
    %get3A_169 = arith.constant 0 : index
    %get3A_170 = vector.load %arg24[%get3A_169] : memref<64xf32, #tpu.memory_space<vmem>>, vector<64xf32>
    %broadcast_in_dim3A_171 = vector.shape_cast %get3A_170 : vector<64xf32> to vector<1x64xf32>
    %add3A_172 = vector.broadcast %broadcast_in_dim3A_171 : vector<1x64xf32> to vector<2048x64xf32>
    %add3A_173 = arith.addf %dot_general3A_168, %add3A_172 : vector<2048x64xf32>
    %swap3A = arith.constant 0 : index
    %swap3A_174 = arith.constant 0 : index
    %swap3A_175 = arith.constant 0 : index
    %swap3A_176 = vector.load %arg25[%swap3A, %swap3A_174, %swap3A_175] : memref<1x2048x64xf32, #tpu.memory_space<vmem>>, vector<1x2048x64xf32>
    %swap3A_177 = vector.shape_cast %swap3A_176 : vector<1x2048x64xf32> to vector<2048x64xf32>
    %swap3A_178 = vector.shape_cast %add3A_173 : vector<2048x64xf32> to vector<1x2048x64xf32>
    tpu.vector_store %arg25[%swap3A, %swap3A_174, %swap3A_175], %swap3A_178 {strides = array<i32>} : memref<1x2048x64xf32, #tpu.memory_space<vmem>>, vector<1x2048x64xf32>,
    return
  }
  func.func @transform_0(%arg0: i32, %arg1: i32) -> (i32, i32, i32) {
    %c0_i32 = arith.constant 0 : i32
    %c0_i32_0 = arith.constant 0 : i32
    return %arg0, %arg1, %c0_i32 : i32, i32, i32
  }
  func.func @transform_1(%arg0: i32, %arg1: i32) -> (i32, i32, i32) {
    %c0_i32 = arith.constant 0 : i32
    %c0_i32_0 = arith.constant 0 : i32
    return %arg0, %arg1, %c0_i32 : i32, i32, i32
  }
  func.func @transform_2(%arg0: i32, %arg1: i32) -> (i32, i32, i32) {
    %c0_i32 = arith.constant 0 : i32
    %c0_i32_0 = arith.constant 0 : i32
    return %arg0, %arg1, %c0_i32 : i32, i32, i32
  }
  func.func @transform_3(%arg0: i32, %arg1: i32) -> (i32, i32, i32) {
    %c0_i32 = arith.constant 0 : i32
    %c0_i32_0 = arith.constant 0 : i32
    %c0_i32_1 = arith.constant 0 : i32
    return %arg0, %c0_i32, %c0_i32_0 : i32, i32, i32
  }
  func.func @transform_4(%arg0: i32, %arg1: i32) -> i32 {
    %c0_i32 = arith.constant 0 : i32
    %c0_i32_0 = arith.constant 0 : i32
    return %c0_i32 : i32
  }
  func.func @transform_5(%arg0: i32, %arg1: i32) -> i32 {
    %c0_i32 = arith.constant 0 : i32
    %c0_i32_0 = arith.constant 0 : i32
    return %c0_i32 : i32
  }
  func.func @transform_6(%arg0: i32, %arg1: i32) -> i32 {
    %c0_i32 = arith.constant 0 : i32
    %c0_i32_0 = arith.constant 0 : i32
    return %c0_i32 : i32
  }
  func.func @transform_7(%arg0: i32, %arg1: i32) -> (i32, i32) {
    %c0_i32 = arith.constant 0 : i32
    %c0_i32_0 = arith.constant 0 : i32
    %c0_i32_1 = arith.constant 0 : i32
    return %c0_i32, %c0_i32_0 : i32, i32
  }
  func.func @transform_8(%arg0: i32, %arg1: i32) -> i32 {
    %c0_i32 = arith.constant 0 : i32
    %c0_i32_0 = arith.constant 0 : i32
    return %c0_i32 : i32
  }
  func.func @transform_9(%arg0: i32, %arg1: i32) -> (i32, i32) {
    %c0_i32 = arith.constant 0 : i32
    %c0_i32_0 = arith.constant 0 : i32
    %c0_i32_1 = arith.constant 0 : i32
    return %c0_i32, %c0_i32_0 : i32, i32
  }
  func.func @transform_10(%arg0: i32, %arg1: i32) -> i32 {
    %c0_i32 = arith.constant 0 : i32
    %c0_i32_0 = arith.constant 0 : i32
    return %c0_i32 : i32
  }
  func.func @transform_11(%arg0: i32, %arg1: i32) -> (i32, i32) {
    %c0_i32 = arith.constant 0 : i32
    %c0_i32_0 = arith.constant 0 : i32
    %c0_i32_1 = arith.constant 0 : i32
    return %c0_i32, %c0_i32_0 : i32, i32
  }
  func.func @transform_12(%arg0: i32, %arg1: i32) -> i32 {
    %c0_i32 = arith.constant 0 : i32
    %c0_i32_0 = arith.constant 0 : i32
    return %c0_i32 : i32
  }
  func.func @transform_13(%arg0: i32, %arg1: i32) -> i32 {
    %c0_i32 = arith.constant 0 : i32
    %c0_i32_0 = arith.constant 0 : i32
    return %c0_i32 : i32
  }
  func.func @transform_14(%arg0: i32, %arg1: i32) -> i32 {
    %c0_i32 = arith.constant 0 : i32
    %c0_i32_0 = arith.constant 0 : i32
    return %c0_i32 : i32
  }
  func.func @transform_15(%arg0: i32, %arg1: i32) -> (i32, i32) {
    %c0_i32 = arith.constant 0 : i32
    %c0_i32_0 = arith.constant 0 : i32
    %c0_i32_1 = arith.constant 0 : i32
    return %c0_i32, %c0_i32_0 : i32, i32
  }
  func.func @transform_16(%arg0: i32, %arg1: i32) -> i32 {
    %c0_i32 = arith.constant 0 : i32
    %c0_i32_0 = arith.constant 0 : i32
    return %c0_i32 : i32
  }
  func.func @transform_17(%arg0: i32, %arg1: i32) -> (i32, i32) {
    %c0_i32 = arith.constant 0 : i32
    %c0_i32_0 = arith.constant 0 : i32
    %c0_i32_1 = arith.constant 0 : i32
    return %c0_i32, %c0_i32_0 : i32, i32
  }
  func.func @transform_18(%arg0: i32, %arg1: i32) -> i32 {
    %c0_i32 = arith.constant 0 : i32
    %c0_i32_0 = arith.constant 0 : i32
    return %c0_i32 : i32
  }
  func.func @transform_19(%arg0: i32, %arg1: i32) -> (i32, i32) {
    %c0_i32 = arith.constant 0 : i32
    %c0_i32_0 = arith.constant 0 : i32
    %c0_i32_1 = arith.constant 0 : i32
    return %c0_i32, %c0_i32_0 : i32, i32
  }
  func.func @transform_20(%arg0: i32, %arg1: i32) -> i32 {
    %c0_i32 = arith.constant 0 : i32
    %c0_i32_0 = arith.constant 0 : i32
    return %c0_i32 : i32
  }
  func.func @transform_21(%arg0: i32, %arg1: i32) -> (i32, i32) {
    %c0_i32 = arith.constant 0 : i32
    %c0_i32_0 = arith.constant 0 : i32
    %c0_i32_1 = arith.constant 0 : i32
    return %c0_i32, %c0_i32_0 : i32, i32
  }
  func.func @transform_22(%arg0: i32, %arg1: i32) -> i32 {
    %c0_i32 = arith.constant 0 : i32
    %c0_i32_0 = arith.constant 0 : i32
    return %c0_i32 : i32
  }
  func.func @transform_23(%arg0: i32, %arg1: i32) -> (i32, i32, i32) {
    %c0_i32 = arith.constant 0 : i32
    %c0_i32_0 = arith.constant 0 : i32
    return %arg0, %arg1, %c0_i32 : i32, i32, i32
  }
}

</mosaic_0001>

<sc_bundles>
// kernel: kernel.8.cloned.1.call-start
scs
__scs_entry_jumppad:
0x0: {  	(pc) =	sbr.rel $0x88, $3  }
0x1: {  	(tag) =	ssettag $0x0;
	lr =	simm.s32 $0x1  }
0x2: {  	[smem:$0x3F78] =	sst lr;
	_ =	strace $0xD0000000  }
0x3: {  	_ = 	snop  }
0x4: {  	_ = 	snop  }
0x5: {  	_ = 	snop  }
0x6: {  	_ = 	snop  }
0x7: {  	_ = 	snop  }
__scs_overlays_trampoline_lowered:
0x8: {  	[smem:$0x3F87] =	sst s0  }
0x9: {  	[smem:$0x3F88] =	sst s1  }
0xa: {  	[smem:$0x3F89] =	sst s2  }
0xb: {  	[smem:$0x3F8A] =	sst s3  }
0xc: {  	[smem:$0x3F8B] =	sst s4  }
0xd: {  	[smem:$0x3F8C] =	sst s5  }
0xe: {  	[smem:$0x3F8D] =	sst s6  }
0xf: {  	[smem:$0x3F8E] =	sst s7  }
0x10: {  	[smem:$0x3F8F] =	sst s8  }
0x11: {  	[smem:$0x3F90] =	sst s9;
	s0 =	simm.s32 @!p0 $0x0  }
0x12: {  	s1 =	sld [smem:$0x3F76];
	s0 =	simm.s32 @p0 $0x1  }
0x13: {  	[smem:$0x3F91] =	sst s0;
	s0 =	simm.s32 @!p1 $0x0  }
0x14: {  	s2 =	sld [smem:$0x3F75];
	s0 =	simm.s32 @p1 $0x1  }
0x15: {  	[smem:$0x3F92] =	sst s0;
	s0 =	simm.s32 @!p2 $0x0  }
0x16: {  	s3 =	sld [smem:$0x3FDB];
	s0 =	simm.s32 @p2 $0x1  }
0x17: {  	s4 =	simm.s32 $0x1BF5;
	[smem:$0x3F94] =	sst s0  }
0x18: {  	s0 =	sld [smem:$0x3F77];
	_ =	swait.ge [sflag:s4], $0x0  }
0x19: {  	s7 =	sld [smem:$0x3F78]  }
0x1a: {  	s8 =	sadd.s32 $0xFFFFE003, lr  }
0x1b: {  	s9 =	sadd.s32 $0xFFFFFEF7, lr;
	s5 =	simm.s32 $0xFFFFFFFF;
	p2 =	slt.u32 s8, $0xFFFFF086  }
0x1c: {  	p1 =	slt.u32 s9, $0xF7A;
	s5 =	simm.s32 @!p2 $0x0  }
0x1d: {  	s5 =	simm.s32 @p1 $0x1;
	p0 =	seq.s32 s7, s2  }
0x1e: {  	s7 =	smul.u32 @!p0 $0xF7A, s2;
	p2 =	seq.s32 @!p0 s5, $0x0  }
0x1f: {  	s9 =	smul.u32 $0xF7A, s1;
	s8 =	simm.s32 @!p0 $0x1BF5;
	p2 =	por !p2, p0  }
0x20: {  	[sflag:s8] =	ssyncset.s32 @!p0 $0xFFFFF086;
	s6 =	sadd.s32 @!p0 s3, s7;
	s7 =	simm.s32 @!p0 $0x108  }
0x21: {  	s3 =	sadd.s32 s3, s9;
	s6 =	sadd.s32 @!p0 $0x88, s6;
	s7 =	simm.s32 @p2 $0x1082  }
0x22: {  	[simem:s7], [sflag:s8] =	dma.local @!p0 [hbm:s6], $0xF7A  }
0x23: {  	s9 =	sor.u32 $0xD0000000, s2;
	s6 =	simm.s32 $0x108;
	_ =	swait.ge @!p0 [sflag:s8], $0x0  }
0x24: {  	s3 =	sadd.s32 $0x88, s3;
	s6 =	simm.s32 @!p1 $0x1082;
	[sflag:s4] =	ssyncset.s32 $0xFFFFF086  }
0x25: {  	[simem:s6], [sflag:s4] =	dma.local [hbm:s3], $0xF7A  }
0x26: {  	[smem:$0x3F78] =	sst s1;
	(tag) =	ssettag s2;
	_ =	strace s9  }
0x27: {  	s1 =	sld [smem:$0x3F88]  }
0x28: {  	s2 =	sld [smem:$0x3F89]  }
0x29: {  	s4 =	sld [smem:$0x3F8B]  }
0x2a: {  	p0 =	seq.s32 s5, $0x0;
	s5 =	sld [smem:$0x3F8C]  }
0x2b: {  	s6 =	sld [smem:$0x3F8D]  }
0x2c: {  	s7 =	sld [smem:$0x3F8E]  }
0x2d: {  	s3 =	simm.s32 $0x108;
	s8 =	sld [smem:$0x3F8F]  }
0x2e: {  	s3 =	simm.s32 @!p0 $0x1082;
	s9 =	sld [smem:$0x3F90]  }
0x2f: {  	lr =	sadd.s32 s0, s3;
	s0 =	sld [smem:$0x3F87]  }
0x30: {  	s3 =	sld [smem:$0x3F8A]  }
0x31: {  	[smem:$0x3F93] =	sst s10  }
0x32: {  	s10 =	sld [smem:$0x3F91];
	_ =	sdelay $0x3  }
0x33: {  	p0 =	seq.s32 s10, $0x1;
	s10 =	sld [smem:$0x3F93];
	_ =	sdelay $0x3  }
0x34: {  	[smem:$0x3F93] =	sst s10  }
0x35: {  	s10 =	sld [smem:$0x3F92];
	_ =	sdelay $0x3  }
0x36: {  	p1 =	seq.s32 s10, $0x1;
	s10 =	sld [smem:$0x3F93];
	_ =	sdelay $0x3  }
0x37: {  	[smem:$0x3F93] =	sst s10  }
0x38: {  	s10 =	sld [smem:$0x3F94]  }
0x39: {  	_ = 	snop;
	(pc) =	sbr.ind lr, $3  }
0x3a: {  	_ = 	snop  }
0x3b: {  	_ = 	snop  }
0x3c: {  	p2 =	seq.s32 s10, $0x1;
	s10 =	sld [smem:$0x3F93]  }
0x3d: {  	_ =	shalt  }
0x3e: {  	_ =	shalt  }
0x3f: {  	_ =	shalt  }
0x40: {  	_ =	shalt  }
0x41: {  	_ =	shalt  }
0x42: {  	_ =	shalt  }
0x43: {  	_ =	shalt  }
0x44: {  	_ =	shalt  }
0x45: {  	_ =	shalt  }
0x46: {  	_ =	shalt  }
0x47: {  	_ =	shalt  }
0x48: {  	_ =	shalt  }
0x49: {  	_ =	shalt  }
0x4a: {  	_ =	shalt  }
0x4b: {  	_ =	shalt  }
0x4c: {  	_ =	shalt  }
0x4d: {  	_ =	shalt  }
0x4e: {  	_ =	shalt  }
0x4f: {  	_ =	shalt  }
0x50: {  	_ =	shalt  }
0x51: {  	_ =	shalt  }
0x52: {  	_ =	shalt  }
0x53: {  	_ =	shalt  }
0x54: {  	_ =	shalt  }
0x55: {  	_ =	shalt  }
0x56: {  	_ =	shalt  }
0x57: {  	_ =	shalt  }
0x58: {  	_ =	shalt  }
0x59: {  	_ =	shalt  }
0x5a: {  	_ =	shalt  }
0x5b: {  	_ =	shalt  }
0x5c: {  	_ =	shalt  }
0x5d: {  	_ =	shalt  }
0x5e: {  	_ =	shalt  }
0x5f: {  	_ =	shalt  }
0x60: {  	_ =	shalt  }
0x61: {  	_ =	shalt  }
0x62: {  	_ =	shalt  }
0x63: {  	_ =	shalt  }
0x64: {  	_ =	shalt  }
0x65: {  	_ =	shalt  }
0x66: {  	_ =	shalt  }
0x67: {  	_ =	shalt  }
0x68: {  	_ =	shalt  }
0x69: {  	_ =	shalt  }
0x6a: {  	_ =	shalt  }
0x6b: {  	_ =	shalt  }
0x6c: {  	_ =	shalt  }
0x6d: {  	_ =	shalt  }
0x6e: {  	_ =	shalt  }
0x6f: {  	_ =	shalt  }
0x70: {  	_ =	shalt  }
0x71: {  	_ =	shalt  }
0x72: {  	_ =	shalt  }
0x73: {  	_ =	shalt  }
0x74: {  	_ =	shalt  }
0x75: {  	_ =	shalt  }
0x76: {  	_ =	shalt  }
0x77: {  	_ =	shalt  }
0x78: {  	_ =	shalt  }
0x79: {  	_ =	shalt  }
0x7a: {  	_ =	shalt  }
0x7b: {  	_ =	shalt  }
0x7c: {  	_ =	shalt  }
0x7d: {  	_ =	shalt  }
0x7e: {  	_ =	shalt  }
0x7f: {  	_ =	shalt  }
0x80: {  	_ =	shalt  }
0x81: {  	_ =	shalt  }
0x82: {  	_ =	shalt  }
0x83: {  	_ =	shalt  }
0x84: {  	_ =	shalt  }
0x85: {  	_ =	shalt  }
0x86: {  	_ =	shalt  }
0x87: {  	_ =	shalt  }
.Lfunc_end0:
.L_simem_size_0:
called_computation_lowered:
.L_overlay_start_0:
0x88: {  	s2 =	sld [smem:$0x3FD9]  }
0x89: {  	s3 =	sld [smem:$0x3FFE];
	_ =	sdelay $0x1  }
0x8a: {  	s1 =	srdreg.scid  }
0x8b: {  	s0 =	sand.u32 $0x1, s1  }
0x8c: {  	s17 =	sshll.u32 s0, $0xA;
	s2 =	sadd.s32 s3, s2  }
0x8d: {  	s2 =	sadd.s32 s2, s17  }
0x8e: {  	[smem:$0x3F9F] =	sst s2  }
0x8f: {  	_ = 	snop  }
0x90: {  	s2 =	sld [smem:$0x3FD0];
	(tm) =	ssettm $0x1  }
0x91: {  	s18 =	sld [smem:$0x3FFB];
	_ =	sdelay $0x3  }
0x92: {  	_ =	strace s18  }
0x93: {  	s3 =	sld [smem:$0x3FFC];
	_ =	sdelay $0x3  }
0x94: {  	_ =	strace s3  }
0x95: {  	s3 =	sld [smem:$0x3FFD];
	_ =	sdelay $0x3  }
0x96: {  	_ =	strace s3  }
0x97: {  	_ =	strace $0x8FFFFFFF  }
0x98: {  	s19 =	sld [smem:$0x3FDB];
	_ =	sdelay $0x1  }
0x99: {  	s4 =	simm.s32 $_scs_section_size  }
0x9a: {  	s5 =	simm.s32 $_size__tile_overlayer_lowered;
	s6 =	simm.s32 $_tile_overlayer_lowered  }
0x9b: {  	s22 =	simm.s32 $0x1BFF;
	s21 =	sshll.u32 s6, $0x1;
	s3 =	sadd.s32 s4, s19  }
0x9c: {  	s7 =	simm.s32 $0x0;
	s20 =	sshll.u32 s5, $0x1;
	s5 =	sadd.s32 s21, s3  }
0x9d: {  	[timem:s7], [sflag:s22] =	dma.local [hbm:s5], s20  }
0x9e: {  	_ =	swait.ge [sflag:s22], s20  }
0x9f: {  	s4 =	ssub.s32 $0x0, s20;
	[sflag:s22] =	ssyncset.done $0x0  }
0xa0: {  	[sflag:s22] =	ssyncadd.s32 s4;
	_ =	sdelay $0x1  }
0xa1: {  	s23 =	simm.s32 $0x1B8B  }
0xa2: {  	_ =	swait.ge [sflag:s23], $0x1  }
0xa3: {  	[sflag:s23] =	ssyncset.done $0x0  }
0xa4: {  	s25 =	simm.s32 $0x1B8E;
	s24 =	sld [smem:$0x3FFE];
	[sflag:s23] =	ssyncadd.s32 $0xFFFFFFFF  }
0xa5: {  	s26 =	simm.s32 $execute0_lowered;
	[smem:$0x3FD2] =	sst s25  }
0xa6: {  	s5 =	sshll.u32 s26, $0x1;
	_ =	strace $0x80000046;
	[dreg:$0x1] =	wrdreg $0xFFFFFFFF  }
0xa7: {  	s28 =	simm.s32 $_size_execute0_lowered;
	s3 =	sadd.s32 s3, s5;
	[dreg:$0x0] =	wrdreg $0x0  }
0xa8: {  	s5 =	sshll.u32 s28, $0x1;
	[dreg:$0x2] =	wrdreg s3  }
0xa9: {  	[dreg:$0x3] =	wrdreg s5  }
0xaa: {  	[dreg:$0x4] =	wrdreg $0xC0  }
0xab: {  	_ =	task [dreg:s7], $0x5FFFF  }
0xac: {  	[dreg:$0x1] =	wrdreg $0xFFFFFFFF  }
0xad: {  	[dreg:$0x0] =	wrdreg $0x60  }
0xae: {  	[dreg:$0x2] =	wrdreg s2  }
0xaf: {  	[dreg:$0x3] =	wrdreg s24  }
0xb0: {  	[dreg:$0x4] =	wrdreg $0x9  }
0xb1: {  	_ =	task.clear_ibuf [dreg:s7], $0x5FFFF;
	_ =	strace $0x90000046  }
0xb2: {  	s29 =	simm.s32 $0x9;
	_ =	strace $0x80000048  }
0xb3: {  	_ =	swait.ge [sflag:s29], $0x1  }
0xb4: {  	[sflag:s29] =	ssyncadd.s32 $0xFFFFFFFF  }
0xb5: {  	_ =	strace $0x90000048  }
0xb6: {  	_ =	sfence  }
0xb7: {  	s30 =	sld [smem:$0x0];
	_ =	sdelay $0x2  }
0xb8: {  	s31 =	sshll.u32 s1, $0xD;
	s1 =	sshrl.u32 s1, $0x2  }
0xb9: {  	s3 =	sand.u32 $0x4000, s31;
	s1 =	sadd.s32 s1, s30  }
0xba: {  	s0 =	sor.u32 s3, s0;
	s1 =	sshll.u32 s1, $0x11  }
0xbb: {  	s0 =	sor.u32 s1, s0  }
0xbc: {  	s0 =	sadd.s32 $0x8F2B, s0  }
0xbd: {  	[sflag:s0] =	ssyncadd.remote.s32 $0x1  }
0xbe: {  	_ =	sfence.sel $0xFFFF  }
0xbf: {  	[dreg:$0x0] =	wrdreg $0xFFFFFFFF;
	(pc) =	sbr.abs _section_cstart, $3  }
0xc0: {  	[dreg:$0x1] =	wrdreg $0xFFFFFFFF  }
0xc1: {  	_ =	task.clear_ibuf [dreg:s7], $0x2FFFF;
	_ =	strace $0x9FFFFFFF  }
0xc2: {  	(tm) =	ssettm $0x7FFFFFFF  }
0xc3: {  	_ =	shalt  }
tec
execute0_lowered:
.L_overlay_start_1:
0x0: {  	(tag) =	ssettag $0x1  }
0x1: {  	s2 =	rddreg [dreg:$0x0]  }
0x2: {  	s0 =	srdreg.scid;
	s6 =	rddreg [dreg:$0x1];
	s3 =	simm.s32 $0x0  }
0x3: {  	s11 =	simm.s32 $0x3;
	s12 =	simm.s32 $0x1880;
	s13 =	simm.s32 $0x1C80  }
0x4: {  	s14 =	simm.s32 $0x2080;
	s15 =	simm.s32 $0x2480;
	s5 =	sand.u32 $0x1, s0  }
0x5: {  	s16 =	simm.s32 $0x1;
	s0 =	stileid.u32;
	s1 =	sshll.u32 s5, $0x4  }
0x6: {  	s17 =	simm.s32 $0x2880;
	s18 =	simm.s32 $0x1A880;
	s1 =	sor.u32 s0, s1  }
0x7: {  	s19 =	simm.s32 $0x2;
	s20 =	simm.s32 $0x0;
	s4 =	sshrl.u32 s1, $0x3  }
0x8: {  	[smem:$0x7FF] =	sst s3;
	s7 =	sshll.u32 s0, $0x7;
	s8 =	smul.u32 $0xC400, s4  }
0x9: {  	s5 =	ssub.s32 $0x2, s5;
	s7 =	sand.u32 $0x380, s7;
	s9 =	smul.u32 $0xC0000, s4  }
0xa: {  	s31 =	sshrl.u32 s5, $0x1;
	s1 =	rddreg [dreg:$0x2];
	s10 =	smul.u32 $0x20400, s4  }
0xb: {  	_ =	strace $0x80000047;
	s4 =	sadd.s32 $0x16200, s6;
	s8 =	sor.u32 s7, s8  }
0xc: {  	s9 =	sor.u32 s7, s9;
	s7 =	sor.u32 s7, s10;
	s10 =	ssub.s32 s5, s31  }
0xd: {  	v0 =	vlaneseq.u32;
	s8 =	sshrl.u32 s8, $0x3;
	s9 =	sshrl.u32 s9, $0x3;
	s7 =	sshrl.u32 s7, $0x3  }
0xe: {  	v1 =	vimm.f32 $0.0e+00;
	v2 =	vimm.f32 $1.000000000e+00;
	v3 =	vor.u32 $0x10, v0;
	s8 =	sadd.s32 s8, s6;
	s9 =	sadd.s32 s9, s6;
	s7 =	sadd.s32 s7, s6  }
0xf: {  	v4 =	vor.u32 $0x20, v0;
	v5 =	vor.u32 $0x30, v0;
	v6 =	vor.u32 $0x40, v0;
	s5 =	sadd.s32 $0x10000, s8;
	s6 =	sadd.s32 $0x2E200, s9;
	s7 =	sadd.s32 $0x8E200, s7  }
0x10: {  	v7 =	vor.u32 $0x50, v0;
	v8 =	vor.u32 $0x60, v0;
	v9 =	vor.u32 $0x70, v0;
	s8 =	smax.u32 s10, $0x1;
	s9 =	simm.s32 $0x80;
	s10 =	simm.s32 $0x400  }
.LBB2_1:
0x11: {  	[tilespmem:s3], [sflag:$0x3] =	stream.strided.gather [hbm4b:s5+s9], $0x1880, s10, s9, $0x38;
	[tilespmem:$0x1E900] =	vst v63  }
0x12: {  	_ =	swait.ge [sflag:s11], $0x1880  }
0x13: {  	[sflag:s11] =	ssyncset.done $0x0  }
0x14: {  	s21 =	simm.s32 $0x0;
	[sflag:s11] =	ssyncadd.s32 $0xFFFFE780  }
.LBB2_2:
0x15: {  	p0 =	sne.s32 s21, $0x5FFC0  }
.Ltmp0:
0x16: {  	_ = 	snop;
	(pc) =	sbr.rel @p0 .LBB2_2-.Ltmp0, $3  }
0x17: {  	_ =	sdelay $0x1  }
0x18: {  	s22 =	sshra.s32 s21, $0x2  }
0x19: {  	s21 =	sadd.s32 $0x40, s21;
	[tilespmem:s22+$0x2880] =	vst v1  }
0x1a: {  	s21 =	simm.s32 $0x40;
	s22 =	simm.s32 $0x0  }
.LBB2_4:
0x1b: {  	p0 =	sne.s32 s21, $0x101C0;
	[tilespmem:s22+$0x1A880] =	vst v1;
	s22 =	smov.u32 s21;
	s21 =	sadd.s32 $0x40, s21  }
.Ltmp1:
0x1c: {  	(pc) =	sbr.rel @p0 .LBB2_4-.Ltmp1, $2  }
0x1d: {  	_ =	sdelay $0x2  }
0x1e: {  	s22 =	sshra.s32 s22, $0x2  }
0x1f: {  	[tilespmem:s22+$0x1A880] =	vst v1;
	s21 =	simm.s32 $0x0  }
0x20: {  	[tilespmem:s12], [sflag:$0x1] =	stream.linear.gather [hbm4b:s2+s21], $0x400, $0x38;
	[tilespmem:$0x1E900] =	vst v63  }
0x21: {  	s22 =	simm.s32 $0x0  }
0x22: {  	[tilespmem:s13], [sflag:$0x1] =	stream.linear.gather [hbm4b:s4+s21], $0x400, $0x38;
	[tilespmem:$0x1E900] =	vst v63  }
.LBB2_6:
0x23: {  	s23 =	sshll.u32 s22, $0x8  }
0x24: {  	s23 =	sor.u32 $0x80, s23  }
0x25: {  	v10 =	vmov s21;
	s24 =	sadd.s32 s2, s23  }
0x26: {  	v10 =	vshrl.u32 v10, $0x7;
	[tilespmem:s14], [sflag:$0x2] =	stream.linear.gather [hbm4b:s24+s21], $0x400, $0x38;
	[tilespmem:$0x1E900] =	vst v63  }
0x27: {  	s23 =	sadd.s32 s4, s23;
	v10 =	vshll.u32 v10, $0x7  }
0x28: {  	v10 =	vbroadcast v10, $0x0;
	[tilespmem:s15], [sflag:$0x2] =	stream.linear.gather [hbm4b:s23+s21], $0x400, $0x38;
	[tilespmem:$0x1E900] =	vst v63  }
0x29: {  	_ =	swait.ge [sflag:s16], $0x400  }
0x2a: {  	v11 =	vor.u32 v0, v10;
	[sflag:s16] =	ssyncset.done $0x0  }
0x2b: {  	v12 =	vor.u32 v3, v10;
	[sflag:s16] =	ssyncadd.s32 $0xFFFFFC00  }
0x2c: {  	v13 =	vor.u32 v5, v10;
	_ =	swait.ge [sflag:s16], $0x400  }
0x2d: {  	v14 =	vor.u32 v7, v10;
	[sflag:s16] =	ssyncset.done $0x0  }
0x2e: {  	[sflag:s16] =	ssyncadd.s32 $0xFFFFFC00  }
0x2f: {  	v17 =	vld.idx.msk [tilespmem:v11+s13+$0x0], $0xffff  }
0x30: {  	v26 =	vor.u32 v4, v10;
	v15 =	vld.idx.msk [tilespmem:v12+s13+$0x0], $0xffff  }
0x31: {  	v19 =	vld.idx.msk [tilespmem:v13+s12+$0x0], $0xffff  }
0x32: {  	v22 =	vor.u32 v8, v10;
	v27 =	vld.idx.msk [tilespmem:v14+s12+$0x0], $0xffff  }
0x33: {  	v21 =	vor.u32 v6, v10;
	v16 =	vld.idx.msk [tilespmem:v13+s13+$0x0], $0xffff  }
0x34: {  	v20 =	vld.idx.msk [tilespmem:v14+s13+$0x0], $0xffff  }
0x35: {  	v18 =	vld.idx.msk [tilespmem:v26+s13+$0x0], $0xffff  }
0x36: {  	v12 =	vld.idx.msk [tilespmem:v12+s12+$0x0], $0xffff  }
0x37: {  	v14 =	vld.idx.msk [tilespmem:v22+s12+$0x0], $0xffff  }
0x38: {  	v28 =	vld.idx.msk [tilespmem:v21+s12+$0x0], $0xffff;
	v24 =	vmul.u32 $0x3, v15  }
0x39: {  	v23 =	vld.idx.msk [tilespmem:v21+s13+$0x0], $0xffff;
	v29 =	vmul.u32 $0x3, v16  }
0x3a: {  	v36 =	vor.u32 v9, v10;
	v32 =	vld.idx.msk [tilespmem:v11+s12+$0x0], $0xffff;
	v30 =	vmul.u32 $0x3, v20  }
0x3b: {  	v46 =	vld.idx.msk [tilespmem:v26+s12+$0x0], $0xffff;
	v31 =	vmul.u32 $0x3, v17;
	v33 =	vmul.u32 $0x3, v18;
	v21 =	vand.u32 $0x7FFF, v19  }
0x3c: {  	v38 =	vshrl.u32 v19, $0xF;
	v10 =	vshrl.u32 v12, $0xF;
	v40 =	vshrl.u32 v27, $0xF  }
0x3d: {  	v19 =	vld.idx.msk [tilespmem:v22+s13+$0x0], $0xffff;
	v22 =	vand.u32 $0x7FFF, v12;
	v12 =	vshrl.u32 v14, $0xF;
	v13 =	vadd.s32 $0x3, v24  }
0x3e: {  	v25 =	vand.u32 $0x7FFF, v28;
	v43 =	vand.u32 $0x7FFF, v27;
	v35 =	vadd.s32 $0x3, v30;
	v34 =	vld.idx.msk [tilespmem:v24+s3+$0x0], $0xffff  }
0x3f: {  	v27 =	vshrl.u32 v28, $0xF;
	v45 =	vshrl.u32 v32, $0xF;
	v37 =	vadd.s32 $0x3, v29;
	v41 =	vld.idx.msk [tilespmem:v29+s3+$0x0], $0xffff  }
0x40: {  	v32 =	vand.u32 $0x7FFF, v32;
	v54 =	vshrl.u32 v46, $0xF;
	v46 =	vand.u32 $0x7FFF, v46;
	v42 =	vld.idx.msk [tilespmem:v30+s3+$0x0], $0xffff  }
0x41: {  	v28 =	vand.u32 $0x7FFF, v40;
	v40 =	vmul.u32 $0x3, v23;
	v39 =	vadd.s32 $0x3, v31;
	v48 =	vld.idx.msk [tilespmem:v31+s3+$0x0], $0xffff  }
0x42: {  	v10 =	vand.u32 $0x7FFF, v10;
	v11 =	vmul.u32 $0x3, v22;
	v52 =	vadd.s32 $0x3, v33;
	v13 =	vld.idx.msk [tilespmem:v13+s3+$0x0], $0xffff  }
0x43: {  	v38 =	vand.u32 $0x7FFF, v38;
	v47 =	vadd.s32 $0x3, v40;
	v49 =	vmul.u32 $0x3, v19;
	v35 =	vld.idx.msk [tilespmem:v35+s3+$0x0], $0xffff  }
0x44: {  	v12 =	vand.u32 $0x7FFF, v12;
	v10 =	vcvt.s32.f32 v10;
	v44 =	vcvt.s32.f32 v28;
	v37 =	vld.idx.msk [tilespmem:v37+s3+$0x0], $0xffff  }
0x45: {  	v27 =	vand.u32 $0x7FFF, v27;
	v51 =	vcvt.s32.f32 v12;
	v12 =	vcvt.s32.f32 v38;
	v38 =	vld.idx.msk [tilespmem:v33+s3+$0x0], $0xffff  }
0x46: {  	v26 =	vmul.u32 $0x3, v21;
	v53 =	vmul.u32 $0x3, v43;
	v27 =	vcvt.s32.f32 v27;
	v39 =	vld.idx.msk [tilespmem:v39+s3+$0x0], $0xffff  }
0x47: {  	v45 =	vand.u32 $0x7FFF, v45;
	v10 =	vmul.f32 $3.051850940e-05, v10;
	v44 =	vmul.f32 $3.051850940e-05, v44;
	v52 =	vld.idx.msk [tilespmem:v52+s3+$0x0], $0xffff  }
0x48: {  	v60 =	vadd.s32 $0x3, v49;
	v47 =	vld.idx.msk [tilespmem:v47+s3+$0x0], $0xffff;
	v28 =	vsub.f32 v13, v34;
	v35 =	vsub.f32 v35, v42  }
0x49: {  	v45 =	vcvt.s32.f32 v45;
	v12 =	vmul.f32 $3.051850940e-05, v12;
	v56 =	vld.idx.msk [tilespmem:v49+s3+$0x0], $0xffff;
	v37 =	vsub.f32 v37, v41  }
0x4a: {  	v55 =	vmul.u32 $0x3, v25;
	v13 =	vld.idx.msk [tilespmem:v36+s13+$0x0], $0xffff;
	v50 =	vmul.f32 v28, v10;
	v35 =	vmul.f32 v35, v44  }
0x4b: {  	v61 =	vadd.s32 $0x4, v29;
	v63 =	vadd.s32 $0x1, v30;
	v36 =	vld.idx.msk [tilespmem:v36+s12+$0x0], $0xffff;
	v37 =	vmul.f32 v37, v12  }
0x4c: {  	v28 =	vand.u32 $0x7FFF, v14;
	v14 =	vadd.f32 v50, v34;
	v34 =	vld.idx.msk [tilespmem:v40+s3+$0x0], $0xffff;
	v35 =	vadd.f32 v35, v42  }
0x4d: {  	v50 =	vld.idx.msk [tilespmem:v60+s3+$0x0], $0xffff;
	v37 =	vadd.f32 v37, v41;
	v41 =	vadd.s32 $0x4, v30;
	v30 =	vand.u32 $0x7FFF, v54  }
0x4e: {  	v42 =	vadd.s32 $0x1, v29;
	v29 =	vmul.f32 $3.051850940e-05, v45;
	v30 =	vcvt.s32.f32 v30;
	[tilespmem:v11+s17+$0x0] =	vst.idx.add.f32.msk $0xffff, v14  }
0x4f: {  	v60 =	vsub.f32 v39, v48;
	v14 =	vmul.f32 $3.051850940e-05, v51;
	[tilespmem:v53+s17+$0x0] =	vst.idx.add.f32.msk $0xffff, v35;
	v51 =	vmul.u32 $0x3, v32  }
0x50: {  	v52 =	vsub.f32 v52, v38;
	v54 =	vmul.u32 $0x3, v46;
	[tilespmem:v26+s17+$0x0] =	vst.idx.add.f32.msk $0xffff, v37;
	v30 =	vmul.f32 $3.051850940e-05, v30  }
0x51: {  	v27 =	vmul.f32 $3.051850940e-05, v27;
	v37 =	vmul.f32 v60, v29;
	v61 =	vld.idx.msk [tilespmem:v61+s3+$0x0], $0xffff;
	v62 =	vsub.f32 v47, v34  }
0x52: {  	v35 =	vld.idx.msk [tilespmem:v63+s3+$0x0], $0xffff;
	v47 =	vmul.u32 $0x3, v13;
	v52 =	vmul.f32 v52, v30  }
0x53: {  	v42 =	vld.idx.msk [tilespmem:v42+s3+$0x0], $0xffff;
	v45 =	vmul.f32 v62, v27;
	v62 =	vadd.f32 v37, v48  }
0x54: {  	v57 =	vadd.s32 $0x1, v40;
	v41 =	vld.idx.msk [tilespmem:v41+s3+$0x0], $0xffff;
	v50 =	vsub.f32 v50, v56;
	v38 =	vadd.f32 v52, v38  }
0x55: {  	v37 =	vadd.s32 $0x3, v47;
	v34 =	vadd.f32 v45, v34;
	[tilespmem:v51+s17+$0x0] =	vst.idx.add.f32.msk $0xffff, v62  }
0x56: {  	v63 =	vmul.f32 v50, v14;
	[tilespmem:v54+s17+$0x0] =	vst.idx.add.f32.msk $0xffff, v38;
	v38 =	vadd.s32 $0x1, v33  }
0x57: {  	v33 =	vadd.s32 $0x4, v33;
	[tilespmem:v55+s17+$0x0] =	vst.idx.add.f32.msk $0xffff, v34  }
0x58: {  	v59 =	vadd.f32 v63, v56;
	v63 =	vadd.s32 $0x1, v31;
	v50 =	vld.idx.msk [tilespmem:v47+s3+$0x0], $0xffff  }
0x59: {  	v45 =	vmul.u32 $0x3, v28;
	v31 =	vadd.s32 $0x4, v31;
	v41 =	vsub.f32 v41, v35;
	v52 =	vld.idx.msk [tilespmem:v57+s3+$0x0], $0xffff  }
0x5a: {  	v37 =	vld.idx.msk [tilespmem:v37+s3+$0x0], $0xffff  }
0x5b: {  	v60 =	vadd.s32 $0x4, v49;
	v39 =	vsub.f32 v61, v42;
	v41 =	vmul.f32 v41, v44;
	v38 =	vld.idx.msk [tilespmem:v38+s3+$0x0], $0xffff  }
0x5c: {  	v43 =	vshrl.u32 v43, $0xC;
	v61 =	vadd.s32 $0x1, v26;
	v33 =	vld.idx.msk [tilespmem:v33+s3+$0x0], $0xffff  }
0x5d: {  	v58 =	vadd.s32 $0x1, v53;
	v39 =	vmul.f32 v39, v12;
	v35 =	vadd.f32 v41, v35;
	v41 =	vld.idx.msk [tilespmem:v63+s3+$0x0], $0xffff  }
0x5e: {  	v43 =	vmul.u32 $0x810, v43;
	v62 =	vshrl.u32 v36, $0xF;
	v57 =	vadd.s32 $0x1, v49;
	v31 =	vld.idx.msk [tilespmem:v31+s3+$0x0], $0xffff  }
0x5f: {  	v26 =	vadd.s32 $0x2, v26;
	v34 =	vand.u32 $0x7FFF, v62;
	v39 =	vadd.f32 v39, v42;
	[tilespmem:v45+s17+$0x0] =	vst.idx.add.f32.msk $0xffff, v59  }
0x60: {  	v34 =	vcvt.s32.f32 v34;
	v59 =	vld.idx.msk [tilespmem:v60+s3+$0x0], $0xffff;
	v60 =	vadd.s32 $0x2, v53  }
0x61: {  	v43 =	vadd.s32 v20, v43;
	v36 =	vand.u32 $0x7FFF, v36;
	[tilespmem:v61+s17+$0x0] =	vst.idx.add.f32.msk $0xffff, v39;
	v61 =	vadd.s32 $0x4, v40  }
0x62: {  	v20 =	vmul.f32 $3.051850940e-05, v34;
	v40 =	vmul.u32 $0x3, v36;
	[tilespmem:v58+s17+$0x0] =	vst.idx.add.f32.msk $0xffff, v35;
	v62 =	vsub.f32 v37, v50  }
0x63: {  	v57 =	vld.idx.msk [tilespmem:v57+s3+$0x0], $0xffff  }
0x64: {  	v63 =	vadd.s32 $0x1, v43;
	[tilespmem:v26+s17+$0x0] =	vst.idx.add.f32.msk $0xffff, v2;
	v34 =	vmul.f32 v62, v20  }
0x65: {  	v56 =	vadd.s32 $0x1, v47;
	v53 =	vsub.f32 $1.000000000e+00, v44;
	[tilespmem:v60+s17+$0x0] =	vst.idx.add.f32.msk $0xffff, v2  }
0x66: {  	v47 =	vadd.s32 $0x4, v47;
	v33 =	vsub.f32 v33, v38;
	v37 =	vld.idx.msk [tilespmem:v61+s3+$0x0], $0xffff;
	v34 =	vadd.f32 v34, v50  }
0x67: {  	v31 =	vsub.f32 v31, v41;
	v60 =	vadd.s32 $0x1, v54;
	[tilespmem:v43+s18+$0x0] =	vst.idx.add.f32.msk $0xffff, v53  }
0x68: {  	v33 =	vmul.f32 v33, v30;
	v50 =	vadd.s32 $0x1, v51;
	[tilespmem:v40+s17+$0x0] =	vst.idx.add.f32.msk $0xffff, v34  }
0x69: {  	v62 =	vadd.s32 $0x2, v54;
	v31 =	vmul.f32 v31, v29;
	v42 =	vsub.f32 v59, v57;
	[tilespmem:v63+s18+$0x0] =	vst.idx.add.f32.msk $0xffff, v44  }
0x6a: {  	v58 =	vadd.s32 $0x1, v45;
	v33 =	vadd.f32 v33, v38;
	v43 =	vld.idx.msk [tilespmem:v56+s3+$0x0], $0xffff  }
0x6b: {  	v63 =	vadd.s32 $0x4, v24;
	v31 =	vadd.f32 v31, v41;
	v42 =	vmul.f32 v42, v14;
	v48 =	vld.idx.msk [tilespmem:v47+s3+$0x0], $0xffff  }
0x6c: {  	v25 =	vshrl.u32 v25, $0xC;
	v32 =	vshrl.u32 v32, $0xC;
	v24 =	vadd.s32 $0x1, v24;
	[tilespmem:v60+s17+$0x0] =	vst.idx.add.f32.msk $0xffff, v33  }
0x6d: {  	v32 =	vmul.u32 $0x810, v32;
	v59 =	vadd.s32 $0x2, v45;
	v61 =	vadd.f32 v42, v57;
	[tilespmem:v50+s17+$0x0] =	vst.idx.add.f32.msk $0xffff, v31  }
0x6e: {  	v25 =	vmul.u32 $0x810, v25;
	v56 =	vadd.s32 $0x2, v51;
	[tilespmem:v62+s17+$0x0] =	vst.idx.add.f32.msk $0xffff, v2  }
0x6f: {  	v21 =	vshrl.u32 v21, $0xC;
	v17 =	vadd.s32 v17, v32;
	v37 =	vsub.f32 v37, v52;
	[tilespmem:v58+s17+$0x0] =	vst.idx.add.f32.msk $0xffff, v61  }
0x70: {  	v22 =	vshrl.u32 v22, $0xC;
	v23 =	vadd.s32 v23, v25;
	v53 =	vadd.s32 $0x1, v55;
	v57 =	vld.idx.msk [tilespmem:v63+s3+$0x0], $0xffff  }
0x71: {  	v54 =	vadd.s32 $0x2, v55;
	v55 =	vshrl.u32 v46, $0xC;
	v25 =	vmul.f32 v37, v27;
	v24 =	vld.idx.msk [tilespmem:v24+s3+$0x0], $0xffff  }
0x72: {  	v22 =	vmul.u32 $0x810, v22;
	v33 =	vmul.u32 $0x810, v55;
	v61 =	vsub.f32 $1.000000000e+00, v29;
	[tilespmem:v59+s17+$0x0] =	vst.idx.add.f32.msk $0xffff, v2  }
0x73: {  	v28 =	vshrl.u32 v28, $0xC;
	v60 =	vadd.s32 $0x1, v17;
	[tilespmem:v56+s17+$0x0] =	vst.idx.add.f32.msk $0xffff, v2;
	v25 =	vadd.f32 v25, v52  }
0x74: {  	v21 =	vmul.u32 $0x810, v21;
	v28 =	vmul.u32 $0x810, v28;
	v18 =	vadd.s32 v18, v33;
	[tilespmem:v17+s18+$0x0] =	vst.idx.add.f32.msk $0xffff, v61  }
0x75: {  	v15 =	vadd.s32 v15, v22;
	v31 =	vadd.s32 $0x1, v23;
	v58 =	vsub.f32 $1.000000000e+00, v27;
	[tilespmem:v53+s17+$0x0] =	vst.idx.add.f32.msk $0xffff, v25  }
0x76: {  	v19 =	vadd.s32 v19, v28;
	v62 =	vadd.s32 $0x1, v18;
	[tilespmem:v54+s17+$0x0] =	vst.idx.add.f32.msk $0xffff, v2;
	v28 =	vsub.f32 v57, v24  }
0x77: {  	v63 =	vsub.f32 $1.000000000e+00, v30;
	v59 =	vshrl.u32 v36, $0xC;
	[tilespmem:v23+s18+$0x0] =	vst.idx.add.f32.msk $0xffff, v58;
	v23 =	vsub.f32 v48, v43  }
0x78: {  	v17 =	vadd.s32 v16, v21;
	v21 =	vadd.s32 $0x1, v19;
	[tilespmem:v60+s18+$0x0] =	vst.idx.add.f32.msk $0xffff, v29;
	v22 =	vmul.f32 v28, v10  }
0x79: {  	v25 =	vsub.f32 $1.000000000e+00, v12;
	[tilespmem:v18+s18+$0x0] =	vst.idx.add.f32.msk $0xffff, v63;
	v18 =	vadd.s32 $0x1, v11;
	v16 =	vmul.f32 v23, v20  }
0x7a: {  	[tilespmem:v31+s18+$0x0] =	vst.idx.add.f32.msk $0xffff, v27;
	v27 =	vadd.s32 $0x2, v40;
	v22 =	vadd.f32 v22, v24;
	v24 =	vsub.f32 $1.000000000e+00, v14  }
0x7b: {  	s24 =	simm.s32 $0x80;
	s23 =	simm.s32 $0x0;
	[tilespmem:v62+s18+$0x0] =	vst.idx.add.f32.msk $0xffff, v30;
	v31 =	vmul.u32 $0x810, v59;
	v23 =	vadd.s32 $0x1, v40;
	v16 =	vadd.f32 v16, v43  }
.LBB2_7:
0x7c: {  	v26 =	vmov s24;
	s23 =	sadd.s32 $0x8, s23;
	[tilespmem:v19+s18+$0x0] =	vst.idx.add.f32.msk $0xffff, v24  }
0x7d: {  	v13 =	vadd.s32 v13, v31;
	v19 =	vshrl.u32 v26, $0x7;
	p0 =	slt.u32 s23, $0x38;
	[tilespmem:v21+s18+$0x0] =	vst.idx.add.f32.msk $0xffff, v14  }
0x7e: {  	v14 =	vshll.u32 v19, $0x7;
	v19 =	vadd.s32 $0x1, v13  }
0x7f: {  	v11 =	vadd.s32 $0x2, v11;
	v14 =	vbroadcast v14, $0x0;
	[tilespmem:v18+s17+$0x0] =	vst.idx.add.f32.msk $0xffff, v22  }
0x80: {  	[tilespmem:v23+s17+$0x0] =	vst.idx.add.f32.msk $0xffff, v16;
	v16 =	vsub.f32 $1.000000000e+00, v20  }
0x81: {  	v21 =	vadd.s32 $0x1, v17;
	v18 =	vor.u32 v0, v14;
	[tilespmem:v27+s17+$0x0] =	vst.idx.add.f32.msk $0xffff, v2  }
0x82: {  	v22 =	vor.u32 v3, v14;
	[tilespmem:v13+s18+$0x0] =	vst.idx.add.f32.msk $0xffff, v16  }
0x83: {  	v13 =	vor.u32 v4, v14;
	[tilespmem:v19+s18+$0x0] =	vst.idx.add.f32.msk $0xffff, v20  }
0x84: {  	v16 =	vor.u32 v5, v14;
	[tilespmem:v11+s17+$0x0] =	vst.idx.add.f32.msk $0xffff, v2  }
0x85: {  	v20 =	vsub.f32 $1.000000000e+00, v10;
	v11 =	vor.u32 v6, v14;
	[tilespmem:v17+s18+$0x0] =	vst.idx.add.f32.msk $0xffff, v25  }
0x86: {  	v23 =	vor.u32 v7, v14;
	v17 =	vadd.s32 $0x1, v15;
	[tilespmem:v21+s18+$0x0] =	vst.idx.add.f32.msk $0xffff, v12  }
0x87: {  	v12 =	vor.u32 v8, v14;
	v19 =	vld.idx.msk [tilespmem:v18+s13+$0x0], $0xffff  }
0x88: {  	[tilespmem:v15+s18+$0x0] =	vst.idx.add.f32.msk $0xffff, v20  }
0x89: {  	v15 =	vld.idx.msk [tilespmem:v22+s13+$0x0], $0xffff  }
0x8a: {  	v21 =	vld.idx.msk [tilespmem:v16+s12+$0x0], $0xffff  }
0x8b: {  	v24 =	vld.idx.msk [tilespmem:v23+s12+$0x0], $0xffff  }
0x8c: {  	[tilespmem:v17+s18+$0x0] =	vst.idx.add.f32.msk $0xffff, v10  }
0x8d: {  	v20 =	vld.idx.msk [tilespmem:v13+s13+$0x0], $0xffff  }
0x8e: {  	v17 =	vld.idx.msk [tilespmem:v16+s13+$0x0], $0xffff  }
0x8f: {  	v25 =	vld.idx.msk [tilespmem:v23+s13+$0x0], $0xffff  }
0x90: {  	v16 =	vmul.u32 $0x3, v15;
	v10 =	vld.idx.msk [tilespmem:v22+s12+$0x0], $0xffff  }
0x91: {  	v26 =	vld.idx.msk [tilespmem:v12+s12+$0x0], $0xffff  }
0x92: {  	v27 =	vmul.u32 $0x3, v19;
	v28 =	vadd.s32 $0x3, v16;
	v29 =	vld.idx.msk [tilespmem:v11+s12+$0x0], $0xffff  }
0x93: {  	v33 =	vor.u32 v9, v14;
	v30 =	vmul.u32 $0x3, v20  }
0x94: {  	v14 =	vshrl.u32 v21, $0xF;
	v22 =	vand.u32 $0x7FFF, v21;
	v34 =	vmul.u32 $0x3, v17;
	v31 =	vld.idx.msk [tilespmem:v11+s13+$0x0], $0xffff  }
0x95: {  	v36 =	vadd.s32 $0x3, v27;
	v38 =	vmul.u32 $0x3, v25;
	v35 =	vld.idx.msk [tilespmem:v18+s12+$0x0], $0xffff;
	v18 =	vshrl.u32 v24, $0xF  }
0x96: {  	v23 =	vand.u32 $0x7FFF, v10;
	v10 =	vshrl.u32 v10, $0xF;
	v21 =	vadd.s32 $0x3, v34;
	v39 =	vld.idx.msk [tilespmem:v16+s3+$0x0], $0xffff  }
0x97: {  	v10 =	vand.u32 $0x7FFF, v10;
	v37 =	vadd.s32 $0x3, v38;
	v40 =	vshrl.u32 v26, $0xF;
	v28 =	vld.idx.msk [tilespmem:v28+s3+$0x0], $0xffff  }
0x98: {  	v42 =	vand.u32 $0x7FFF, v24;
	v10 =	vcvt.s32.f32 v10;
	v41 =	vand.u32 $0x7FFF, v29;
	v24 =	vld.idx.msk [tilespmem:v12+s13+$0x0], $0xffff  }
0x99: {  	v11 =	vmul.u32 $0x3, v23;
	v18 =	vand.u32 $0x7FFF, v18;
	v12 =	vshrl.u32 v29, $0xF  }
0x9a: {  	v29 =	vcvt.s32.f32 v18;
	v10 =	vmul.f32 $3.051850940e-05, v10;
	v12 =	vand.u32 $0x7FFF, v12;
	v43 =	vld.idx.msk [tilespmem:v34+s3+$0x0], $0xffff  }
0x9b: {  	v18 =	vmul.u32 $0x3, v22;
	v44 =	vshrl.u32 v35, $0xF;
	v12 =	vcvt.s32.f32 v12;
	v45 =	vld.idx.msk [tilespmem:v38+s3+$0x0], $0xffff  }
0x9c: {  	v14 =	vand.u32 $0x7FFF, v14;
	v32 =	vmul.u32 $0x3, v31;
	v46 =	vld.idx.msk [tilespmem:v37+s3+$0x0], $0xffff;
	v37 =	vand.u32 $0x7FFF, v40  }
0x9d: {  	v28 =	vsub.f32 v28, v39;
	v40 =	vld.idx.msk [tilespmem:v21+s3+$0x0], $0xffff;
	v21 =	vmul.f32 $3.051850940e-05, v12;
	v12 =	vcvt.s32.f32 v37  }
0x9e: {  	v48 =	vcvt.s32.f32 v14;
	v49 =	vadd.s32 $0x3, v32;
	v37 =	vand.u32 $0x7FFF, v26;
	v47 =	vld.idx.msk [tilespmem:v13+s12+$0x0], $0xffff  }
0x9f: {  	v50 =	vand.u32 $0x7FFF, v35;
	v29 =	vmul.f32 $3.051850940e-05, v29;
	v14 =	vand.u32 $0x7FFF, v44;
	v13 =	vld.idx.msk [tilespmem:v33+s13+$0x0], $0xffff  }
0xa0: {  	v26 =	vcvt.s32.f32 v14;
	v44 =	vmul.u32 $0x3, v24;
	v14 =	vmul.f32 $3.051850940e-05, v12;
	v35 =	vld.idx.msk [tilespmem:v27+s3+$0x0], $0xffff  }
0xa1: {  	v28 =	vmul.f32 v28, v10;
	v12 =	vmul.f32 $3.051850940e-05, v48;
	v48 =	vadd.s32 $0x4, v34;
	v36 =	vld.idx.msk [tilespmem:v36+s3+$0x0], $0xffff  }
0xa2: {  	v53 =	vmul.u32 $0x3, v42;
	v52 =	vadd.s32 $0x3, v30;
	v46 =	vsub.f32 v46, v45;
	v51 =	vld.idx.msk [tilespmem:v30+s3+$0x0], $0xffff  }
0xa3: {  	v54 =	vadd.s32 $0x3, v44;
	v28 =	vadd.f32 v28, v39;
	v39 =	vsub.f32 v40, v43;
	v40 =	vld.idx.msk [tilespmem:v32+s3+$0x0], $0xffff  }
0xa4: {  	v56 =	vmul.u32 $0x3, v41;
	v55 =	vshrl.u32 v47, $0xF;
	v46 =	vmul.f32 v46, v29;
	v49 =	vld.idx.msk [tilespmem:v49+s3+$0x0], $0xffff  }
0xa5: {  	v26 =	vmul.f32 $3.051850940e-05, v26;
	v39 =	vmul.f32 v39, v12;
	[tilespmem:v11+s17+$0x0] =	vst.idx.add.f32.msk $0xffff, v28;
	v28 =	vand.u32 $0x7FFF, v55  }
0xa6: {  	v47 =	vand.u32 $0x7FFF, v47;
	v45 =	vadd.f32 v46, v45;
	v28 =	vcvt.s32.f32 v28;
	v46 =	vld.idx.msk [tilespmem:v33+s12+$0x0], $0xffff  }
0xa7: {  	v33 =	vsub.f32 v36, v35;
	v39 =	vadd.f32 v39, v43;
	v36 =	vshrl.u32 v41, $0xC;
	v52 =	vld.idx.msk [tilespmem:v52+s3+$0x0], $0xffff  }
0xa8: {  	v34 =	vadd.s32 $0x1, v34;
	v43 =	vadd.s32 $0x4, v38;
	v41 =	vmul.u32 $0x810, v36;
	v54 =	vld.idx.msk [tilespmem:v54+s3+$0x0], $0xffff  }
0xa9: {  	v55 =	vmul.u32 $0x3, v50;
	v36 =	vmul.u32 $0x3, v47;
	v33 =	vmul.f32 v33, v26;
	v57 =	vld.idx.msk [tilespmem:v44+s3+$0x0], $0xffff  }
0xaa: {  	v38 =	vadd.s32 $0x1, v38;
	v49 =	vsub.f32 v49, v40;
	[tilespmem:v53+s17+$0x0] =	vst.idx.add.f32.msk $0xffff, v45;
	v45 =	vmul.u32 $0x3, v13  }
0xab: {  	v28 =	vmul.f32 $3.051850940e-05, v28;
	v58 =	vadd.f32 v33, v35;
	[tilespmem:v18+s17+$0x0] =	vst.idx.add.f32.msk $0xffff, v39;
	v39 =	vadd.s32 $0x1, v32  }
0xac: {  	v33 =	vadd.s32 $0x1, v56;
	v35 =	vmul.f32 v49, v21;
	v49 =	vshrl.u32 v46, $0xF;
	v48 =	vld.idx.msk [tilespmem:v48+s3+$0x0], $0xffff  }
0xad: {  	v60 =	vmul.u32 $0x3, v37;
	v49 =	vand.u32 $0x7FFF, v49;
	v59 =	vld.idx.msk [tilespmem:v34+s3+$0x0], $0xffff;
	v34 =	vadd.s32 $0x2, v56  }
0xae: {  	v52 =	vsub.f32 v52, v51;
	v35 =	vadd.f32 v35, v40;
	v40 =	vld.idx.msk [tilespmem:v43+s3+$0x0], $0xffff;
	v43 =	vcvt.s32.f32 v49  }
0xaf: {  	v61 =	vadd.s32 $0x3, v45;
	v49 =	vsub.f32 v54, v57;
	v54 =	vadd.s32 $0x1, v60;
	v38 =	vld.idx.msk [tilespmem:v38+s3+$0x0], $0xffff  }
0xb0: {  	v42 =	vshrl.u32 v42, $0xC;
	v52 =	vmul.f32 v52, v28;
	[tilespmem:v56+s17+$0x0] =	vst.idx.add.f32.msk $0xffff, v35;
	v56 =	vadd.s32 $0x2, v60  }
0xb1: {  	v42 =	vmul.u32 $0x810, v42;
	v35 =	vsub.f32 $1.000000000e+00, v21;
	v49 =	vmul.f32 v49, v14;
	v62 =	vld.idx.msk [tilespmem:v45+s3+$0x0], $0xffff  }
0xb2: {  	v63 =	vadd.s32 $0x1, v44;
	v51 =	vadd.f32 v52, v51;
	v52 =	vadd.s32 $0x1, v53;
	v39 =	vld.idx.msk [tilespmem:v39+s3+$0x0], $0xffff  }
0xb3: {  	v44 =	vadd.s32 $0x4, v44;
	v53 =	vadd.s32 $0x2, v53;
	v49 =	vadd.f32 v49, v57;
	[tilespmem:v55+s17+$0x0] =	vst.idx.add.f32.msk $0xffff, v58  }
0xb4: {  	v57 =	vadd.s32 $0x1, v18;
	v48 =	vsub.f32 v48, v59;
	[tilespmem:v36+s17+$0x0] =	vst.idx.add.f32.msk $0xffff, v51;
	v51 =	vadd.s32 $0x1, v30  }
0xb5: {  	v42 =	vadd.s32 v25, v42;
	v47 =	vshrl.u32 v47, $0xC;
	v40 =	vsub.f32 v40, v38;
	[tilespmem:v60+s17+$0x0] =	vst.idx.add.f32.msk $0xffff, v49  }
0xb6: {  	v41 =	vadd.s32 v31, v41;
	v30 =	vadd.s32 $0x4, v30;
	v25 =	vmul.f32 v48, v12;
	v31 =	vld.idx.msk [tilespmem:v61+s3+$0x0], $0xffff  }
0xb7: {  	v47 =	vmul.u32 $0x810, v47;
	v48 =	vadd.s32 $0x1, v27;
	v40 =	vmul.f32 v40, v29;
	v49 =	vld.idx.msk [tilespmem:v63+s3+$0x0], $0xffff  }
0xb8: {  	v37 =	vshrl.u32 v37, $0xC;
	v50 =	vshrl.u32 v50, $0xC;
	v58 =	vadd.f32 v25, v59;
	v44 =	vld.idx.msk [tilespmem:v44+s3+$0x0], $0xffff  }
0xb9: {  	v47 =	vadd.s32 v20, v47;
	v25 =	vsub.f32 $1.000000000e+00, v12;
	v38 =	vadd.f32 v40, v38;
	v51 =	vld.idx.msk [tilespmem:v51+s3+$0x0], $0xffff  }
0xba: {  	v32 =	vadd.s32 $0x4, v32;
	v20 =	vand.u32 $0x7FFF, v46;
	v40 =	vadd.s32 $0x4, v27;
	[tilespmem:v57+s17+$0x0] =	vst.idx.add.f32.msk $0xffff, v58  }
0xbb: {  	v46 =	vadd.s32 $0x1, v55;
	v57 =	vmul.u32 $0x3, v20;
	v58 =	vshrl.u32 v20, $0xC;
	v30 =	vld.idx.msk [tilespmem:v30+s3+$0x0], $0xffff  }
0xbc: {  	v55 =	vadd.s32 $0x2, v55;
	v20 =	vmul.f32 $3.051850940e-05, v43;
	v43 =	vsub.f32 v31, v62;
	v48 =	vld.idx.msk [tilespmem:v48+s3+$0x0], $0xffff  }
0xbd: {  	v50 =	vmul.u32 $0x810, v50;
	v31 =	vmul.u32 $0x810, v58;
	v27 =	vadd.s32 $0x2, v57;
	[tilespmem:v52+s17+$0x0] =	vst.idx.add.f32.msk $0xffff, v38  }
0xbe: {  	v38 =	vadd.s32 $0x1, v42;
	v44 =	vsub.f32 v44, v49;
	v43 =	vmul.f32 v43, v20;
	[tilespmem:v53+s17+$0x0] =	vst.idx.add.f32.msk $0xffff, v2  }
0xbf: {  	v50 =	vadd.s32 v19, v50;
	v19 =	vsub.f32 $1.000000000e+00, v29;
	v52 =	vadd.s32 $0x1, v45;
	v32 =	vld.idx.msk [tilespmem:v32+s3+$0x0], $0xffff  }
0xc0: {  	v45 =	vadd.s32 $0x4, v45;
	v44 =	vmul.f32 v44, v14;
	v43 =	vadd.f32 v43, v62;
	v40 =	vld.idx.msk [tilespmem:v40+s3+$0x0], $0xffff  }
0xc1: {  	v22 =	vshrl.u32 v22, $0xC;
	v30 =	vsub.f32 v30, v51;
	[tilespmem:v42+s18+$0x0] =	vst.idx.add.f32.msk $0xffff, v19;
	v19 =	vmul.u32 $0x810, v37  }
0xc2: {  	v23 =	vshrl.u32 v23, $0xC;
	v22 =	vmul.u32 $0x810, v22;
	v37 =	vadd.f32 v44, v49;
	[tilespmem:v57+s17+$0x0] =	vst.idx.add.f32.msk $0xffff, v43  }
0xc3: {  	v42 =	vadd.s32 $0x1, v36;
	v30 =	vmul.f32 v30, v28;
	[tilespmem:v38+s18+$0x0] =	vst.idx.add.f32.msk $0xffff, v29;
	v19 =	vadd.s32 v24, v19  }
0xc4: {  	v23 =	vmul.u32 $0x810, v23;
	v17 =	vadd.s32 v17, v22;
	v24 =	vadd.s32 $0x2, v36;
	v22 =	vld.idx.msk [tilespmem:v52+s3+$0x0], $0xffff  }
0xc5: {  	v29 =	vadd.s32 $0x4, v16;
	v30 =	vadd.f32 v30, v51;
	v32 =	vsub.f32 v32, v39;
	v36 =	vld.idx.msk [tilespmem:v45+s3+$0x0], $0xffff  }
0xc6: {  	v15 =	vadd.s32 v15, v23;
	v16 =	vadd.s32 $0x1, v16;
	v38 =	vsub.f32 v40, v48;
	[tilespmem:v54+s17+$0x0] =	vst.idx.add.f32.msk $0xffff, v37  }
0xc7: {  	v23 =	vmul.f32 v32, v21;
	[tilespmem:v56+s17+$0x0] =	vst.idx.add.f32.msk $0xffff, v2  }
0xc8: {  	v32 =	vmul.f32 v38, v26;
	[tilespmem:v42+s17+$0x0] =	vst.idx.add.f32.msk $0xffff, v30  }
0xc9: {  	v23 =	vadd.f32 v23, v39;
	[tilespmem:v24+s17+$0x0] =	vst.idx.add.f32.msk $0xffff, v2  }
0xca: {  	v24 =	vadd.f32 v32, v48;
	v29 =	vld.idx.msk [tilespmem:v29+s3+$0x0], $0xffff  }
0xcb: {  	v30 =	vld.idx.msk [tilespmem:v16+s3+$0x0], $0xffff;
	v16 =	vsub.f32 v36, v22  }
0xcc: {  	[tilespmem:v46+s17+$0x0] =	vst.idx.add.f32.msk $0xffff, v24;
	v24 =	vadd.s32 $0x1, v41  }
0xcd: {  	[tilespmem:v33+s17+$0x0] =	vst.idx.add.f32.msk $0xffff, v23;
	v16 =	vmul.f32 v16, v20  }
0xce: {  	v23 =	vadd.s32 $0x1, v50;
	[tilespmem:v34+s17+$0x0] =	vst.idx.add.f32.msk $0xffff, v2  }
0xcf: {  	[tilespmem:v55+s17+$0x0] =	vst.idx.add.f32.msk $0xffff, v2;
	v16 =	vadd.f32 v16, v22  }
0xd0: {  	v32 =	vadd.s32 $0x1, v47;
	v22 =	vsub.f32 $1.000000000e+00, v26;
	[tilespmem:v41+s18+$0x0] =	vst.idx.add.f32.msk $0xffff, v35  }
0xd1: {  	v33 =	vadd.s32 $0x2, v18;
	v29 =	vsub.f32 v29, v30;
	[tilespmem:v24+s18+$0x0] =	vst.idx.add.f32.msk $0xffff, v21  }
.Ltmp2:
0xd2: {  	v18 =	vsub.f32 $1.000000000e+00, v28;
	[tilespmem:v50+s18+$0x0] =	vst.idx.add.f32.msk $0xffff, v22;
	(pc) =	sbr.rel @p0 .LBB2_7-.Ltmp2, $4  }
0xd3: {  	v21 =	vadd.s32 $0x1, v19;
	v22 =	vmul.f32 v29, v10;
	[tilespmem:v23+s18+$0x0] =	vst.idx.add.f32.msk $0xffff, v26  }
0xd4: {  	[tilespmem:v47+s18+$0x0] =	vst.idx.add.f32.msk $0xffff, v18  }
0xd5: {  	v24 =	vsub.f32 $1.000000000e+00, v14;
	v18 =	vadd.s32 $0x1, v11;
	v22 =	vadd.f32 v22, v30;
	[tilespmem:v32+s18+$0x0] =	vst.idx.add.f32.msk $0xffff, v28  }
0xd6: {  	s24 =	sadd.s32 $0x80, s24;
	v23 =	vadd.s32 $0x1, v57;
	[tilespmem:v33+s17+$0x0] =	vst.idx.add.f32.msk $0xffff, v2  }
0xd7: {  	_ =	sdelay $0x3  }
0xd8: {  	[tilespmem:v19+s18+$0x0] =	vst.idx.add.f32.msk $0xffff, v24  }
0xd9: {  	v13 =	vadd.s32 v13, v31;
	[tilespmem:v18+s17+$0x0] =	vst.idx.add.f32.msk $0xffff, v22  }
0xda: {  	v11 =	vadd.s32 $0x2, v11;
	[tilespmem:v23+s17+$0x0] =	vst.idx.add.f32.msk $0xffff, v16  }
0xdb: {  	v18 =	vadd.s32 $0x1, v17;
	[tilespmem:v17+s18+$0x0] =	vst.idx.add.f32.msk $0xffff, v25  }
0xdc: {  	v16 =	vsub.f32 $1.000000000e+00, v20;
	[tilespmem:v21+s18+$0x0] =	vst.idx.add.f32.msk $0xffff, v14;
	v14 =	vadd.s32 $0x1, v13  }
0xdd: {  	[tilespmem:v27+s17+$0x0] =	vst.idx.add.f32.msk $0xffff, v2  }
0xde: {  	[tilespmem:v13+s18+$0x0] =	vst.idx.add.f32.msk $0xffff, v16;
	v13 =	vadd.s32 $0x1, v15  }
0xdf: {  	s23 =	sshll.u32 s22, $0x1;
	[tilespmem:v11+s17+$0x0] =	vst.idx.add.f32.msk $0xffff, v2  }
0xe0: {  	s23 =	smin.u32 s23, $0x2FD;
	v11 =	vsub.f32 $1.000000000e+00, v10;
	[tilespmem:v18+s18+$0x0] =	vst.idx.add.f32.msk $0xffff, v12  }
0xe1: {  	s23 =	sshll.u32 s23, $0x7;
	[tilespmem:v14+s18+$0x0] =	vst.idx.add.f32.msk $0xffff, v20  }
0xe2: {  	s24 =	simm.s32 $0x0;
	s23 =	sadd.s32 $0x100, s23;
	[tilespmem:v15+s18+$0x0] =	vst.idx.add.f32.msk $0xffff, v11  }
0xe3: {  	s25 =	sadd.s32 s2, s23;
	[tilespmem:v13+s18+$0x0] =	vst.idx.add.f32.msk $0xffff, v10;
	v10 =	vmov s24  }
0xe4: {  	[tilespmem:s12], [sflag:$0x1] =	stream.linear.gather [hbm4b:s25+s24], $0x400, $0x38;
	v10 =	vshrl.u32 v10, $0x7;
	[tilespmem:$0x1E900] =	vst v63  }
0xe5: {  	s23 =	sadd.s32 s4, s23;
	v10 =	vshll.u32 v10, $0x7  }
0xe6: {  	[tilespmem:s13], [sflag:$0x1] =	stream.linear.gather [hbm4b:s23+s24], $0x400, $0x38;
	v10 =	vbroadcast v10, $0x0;
	[tilespmem:$0x1E900] =	vst v63  }
0xe7: {  	_ =	swait.ge [sflag:s19], $0x400  }
0xe8: {  	[sflag:s19] =	ssyncset.done $0x0;
	v11 =	vor.u32 v0, v10  }
0xe9: {  	v12 =	vor.u32 v3, v10;
	[sflag:s19] =	ssyncadd.s32 $0xFFFFFC00  }
0xea: {  	v13 =	vor.u32 v5, v10;
	_ =	swait.ge [sflag:s19], $0x400  }
0xeb: {  	v14 =	vor.u32 v7, v10;
	[sflag:s19] =	ssyncset.done $0x0  }
0xec: {  	[sflag:s19] =	ssyncadd.s32 $0xFFFFFC00  }
0xed: {  	v17 =	vld.idx.msk [tilespmem:v11+s15+$0x0], $0xffff  }
0xee: {  	v26 =	vor.u32 v4, v10;
	v15 =	vld.idx.msk [tilespmem:v12+s15+$0x0], $0xffff  }
0xef: {  	v19 =	vld.idx.msk [tilespmem:v13+s14+$0x0], $0xffff  }
0xf0: {  	v22 =	vor.u32 v8, v10;
	v27 =	vld.idx.msk [tilespmem:v14+s14+$0x0], $0xffff  }
0xf1: {  	v21 =	vor.u32 v6, v10;
	v16 =	vld.idx.msk [tilespmem:v13+s15+$0x0], $0xffff  }
0xf2: {  	v20 =	vld.idx.msk [tilespmem:v14+s15+$0x0], $0xffff  }
0xf3: {  	v18 =	vld.idx.msk [tilespmem:v26+s15+$0x0], $0xffff  }
0xf4: {  	v12 =	vld.idx.msk [tilespmem:v12+s14+$0x0], $0xffff  }
0xf5: {  	v14 =	vld.idx.msk [tilespmem:v22+s14+$0x0], $0xffff  }
0xf6: {  	v28 =	vld.idx.msk [tilespmem:v21+s14+$0x0], $0xffff;
	v24 =	vmul.u32 $0x3, v15  }
0xf7: {  	v23 =	vld.idx.msk [tilespmem:v21+s15+$0x0], $0xffff;
	v29 =	vmul.u32 $0x3, v16  }
0xf8: {  	v36 =	vor.u32 v9, v10;
	v32 =	vld.idx.msk [tilespmem:v11+s14+$0x0], $0xffff;
	v30 =	vmul.u32 $0x3, v20  }
0xf9: {  	v46 =	vld.idx.msk [tilespmem:v26+s14+$0x0], $0xffff;
	v31 =	vmul.u32 $0x3, v17;
	v33 =	vmul.u32 $0x3, v18;
	v21 =	vand.u32 $0x7FFF, v19  }
0xfa: {  	v38 =	vshrl.u32 v19, $0xF;
	v10 =	vshrl.u32 v12, $0xF;
	v40 =	vshrl.u32 v27, $0xF  }
0xfb: {  	v19 =	vld.idx.msk [tilespmem:v22+s15+$0x0], $0xffff;
	v22 =	vand.u32 $0x7FFF, v12;
	v12 =	vshrl.u32 v14, $0xF;
	v13 =	vadd.s32 $0x3, v24  }
0xfc: {  	v25 =	vand.u32 $0x7FFF, v28;
	v43 =	vand.u32 $0x7FFF, v27;
	v35 =	vadd.s32 $0x3, v30;
	v34 =	vld.idx.msk [tilespmem:v24+s3+$0x0], $0xffff  }
0xfd: {  	v27 =	vshrl.u32 v28, $0xF;
	v45 =	vshrl.u32 v32, $0xF;
	v37 =	vadd.s32 $0x3, v29;
	v41 =	vld.idx.msk [tilespmem:v29+s3+$0x0], $0xffff  }
0xfe: {  	v32 =	vand.u32 $0x7FFF, v32;
	v54 =	vshrl.u32 v46, $0xF;
	v46 =	vand.u32 $0x7FFF, v46;
	v42 =	vld.idx.msk [tilespmem:v30+s3+$0x0], $0xffff  }
0xff: {  	v28 =	vand.u32 $0x7FFF, v40;
	v40 =	vmul.u32 $0x3, v23;
	v39 =	vadd.s32 $0x3, v31;
	v48 =	vld.idx.msk [tilespmem:v31+s3+$0x0], $0xffff  }
0x100: {  	v10 =	vand.u32 $0x7FFF, v10;
	v11 =	vmul.u32 $0x3, v22;
	v52 =	vadd.s32 $0x3, v33;
	v13 =	vld.idx.msk [tilespmem:v13+s3+$0x0], $0xffff  }
0x101: {  	v38 =	vand.u32 $0x7FFF, v38;
	v47 =	vadd.s32 $0x3, v40;
	v49 =	vmul.u32 $0x3, v19;
	v35 =	vld.idx.msk [tilespmem:v35+s3+$0x0], $0xffff  }
0x102: {  	v12 =	vand.u32 $0x7FFF, v12;
	v10 =	vcvt.s32.f32 v10;
	v44 =	vcvt.s32.f32 v28;
	v37 =	vld.idx.msk [tilespmem:v37+s3+$0x0], $0xffff  }
0x103: {  	v27 =	vand.u32 $0x7FFF, v27;
	v51 =	vcvt.s32.f32 v12;
	v12 =	vcvt.s32.f32 v38;
	v38 =	vld.idx.msk [tilespmem:v33+s3+$0x0], $0xffff  }
0x104: {  	v26 =	vmul.u32 $0x3, v21;
	v53 =	vmul.u32 $0x3, v43;
	v27 =	vcvt.s32.f32 v27;
	v39 =	vld.idx.msk [tilespmem:v39+s3+$0x0], $0xffff  }
0x105: {  	v45 =	vand.u32 $0x7FFF, v45;
	v10 =	vmul.f32 $3.051850940e-05, v10;
	v44 =	vmul.f32 $3.051850940e-05, v44;
	v52 =	vld.idx.msk [tilespmem:v52+s3+$0x0], $0xffff  }
0x106: {  	v60 =	vadd.s32 $0x3, v49;
	v47 =	vld.idx.msk [tilespmem:v47+s3+$0x0], $0xffff;
	v28 =	vsub.f32 v13, v34;
	v35 =	vsub.f32 v35, v42  }
0x107: {  	v45 =	vcvt.s32.f32 v45;
	v12 =	vmul.f32 $3.051850940e-05, v12;
	v56 =	vld.idx.msk [tilespmem:v49+s3+$0x0], $0xffff;
	v37 =	vsub.f32 v37, v41  }
0x108: {  	v55 =	vmul.u32 $0x3, v25;
	v13 =	vld.idx.msk [tilespmem:v36+s15+$0x0], $0xffff;
	v50 =	vmul.f32 v28, v10;
	v35 =	vmul.f32 v35, v44  }
0x109: {  	v61 =	vadd.s32 $0x4, v29;
	v63 =	vadd.s32 $0x1, v30;
	v36 =	vld.idx.msk [tilespmem:v36+s14+$0x0], $0xffff;
	v37 =	vmul.f32 v37, v12  }
0x10a: {  	v28 =	vand.u32 $0x7FFF, v14;
	v14 =	vadd.f32 v50, v34;
	v34 =	vld.idx.msk [tilespmem:v40+s3+$0x0], $0xffff;
	v35 =	vadd.f32 v35, v42  }
0x10b: {  	v50 =	vld.idx.msk [tilespmem:v60+s3+$0x0], $0xffff;
	v37 =	vadd.f32 v37, v41;
	v41 =	vadd.s32 $0x4, v30;
	v30 =	vand.u32 $0x7FFF, v54  }
0x10c: {  	v42 =	vadd.s32 $0x1, v29;
	v29 =	vmul.f32 $3.051850940e-05, v45;
	v30 =	vcvt.s32.f32 v30;
	[tilespmem:v11+s17+$0x0] =	vst.idx.add.f32.msk $0xffff, v14  }
0x10d: {  	v60 =	vsub.f32 v39, v48;
	v14 =	vmul.f32 $3.051850940e-05, v51;
	[tilespmem:v53+s17+$0x0] =	vst.idx.add.f32.msk $0xffff, v35;
	v51 =	vmul.u32 $0x3, v32  }
0x10e: {  	v52 =	vsub.f32 v52, v38;
	v54 =	vmul.u32 $0x3, v46;
	[tilespmem:v26+s17+$0x0] =	vst.idx.add.f32.msk $0xffff, v37;
	v30 =	vmul.f32 $3.051850940e-05, v30  }
0x10f: {  	v27 =	vmul.f32 $3.051850940e-05, v27;
	v37 =	vmul.f32 v60, v29;
	v61 =	vld.idx.msk [tilespmem:v61+s3+$0x0], $0xffff;
	v62 =	vsub.f32 v47, v34  }
0x110: {  	v35 =	vld.idx.msk [tilespmem:v63+s3+$0x0], $0xffff;
	v47 =	vmul.u32 $0x3, v13;
	v52 =	vmul.f32 v52, v30  }
0x111: {  	v42 =	vld.idx.msk [tilespmem:v42+s3+$0x0], $0xffff;
	v45 =	vmul.f32 v62, v27;
	v62 =	vadd.f32 v37, v48  }
0x112: {  	v57 =	vadd.s32 $0x1, v40;
	v41 =	vld.idx.msk [tilespmem:v41+s3+$0x0], $0xffff;
	v50 =	vsub.f32 v50, v56;
	v38 =	vadd.f32 v52, v38  }
0x113: {  	v37 =	vadd.s32 $0x3, v47;
	v34 =	vadd.f32 v45, v34;
	[tilespmem:v51+s17+$0x0] =	vst.idx.add.f32.msk $0xffff, v62  }
0x114: {  	v63 =	vmul.f32 v50, v14;
	[tilespmem:v54+s17+$0x0] =	vst.idx.add.f32.msk $0xffff, v38;
	v38 =	vadd.s32 $0x1, v33  }
0x115: {  	v33 =	vadd.s32 $0x4, v33;
	[tilespmem:v55+s17+$0x0] =	vst.idx.add.f32.msk $0xffff, v34  }
0x116: {  	v59 =	vadd.f32 v63, v56;
	v63 =	vadd.s32 $0x1, v31;
	v50 =	vld.idx.msk [tilespmem:v47+s3+$0x0], $0xffff  }
0x117: {  	v45 =	vmul.u32 $0x3, v28;
	v31 =	vadd.s32 $0x4, v31;
	v41 =	vsub.f32 v41, v35;
	v52 =	vld.idx.msk [tilespmem:v57+s3+$0x0], $0xffff  }
0x118: {  	v37 =	vld.idx.msk [tilespmem:v37+s3+$0x0], $0xffff  }
0x119: {  	v60 =	vadd.s32 $0x4, v49;
	v39 =	vsub.f32 v61, v42;
	v41 =	vmul.f32 v41, v44;
	v38 =	vld.idx.msk [tilespmem:v38+s3+$0x0], $0xffff  }
0x11a: {  	v43 =	vshrl.u32 v43, $0xC;
	v61 =	vadd.s32 $0x1, v26;
	v33 =	vld.idx.msk [tilespmem:v33+s3+$0x0], $0xffff  }
0x11b: {  	v58 =	vadd.s32 $0x1, v53;
	v39 =	vmul.f32 v39, v12;
	v35 =	vadd.f32 v41, v35;
	v41 =	vld.idx.msk [tilespmem:v63+s3+$0x0], $0xffff  }
0x11c: {  	v43 =	vmul.u32 $0x810, v43;
	v62 =	vshrl.u32 v36, $0xF;
	v57 =	vadd.s32 $0x1, v49;
	v31 =	vld.idx.msk [tilespmem:v31+s3+$0x0], $0xffff  }
0x11d: {  	v26 =	vadd.s32 $0x2, v26;
	v34 =	vand.u32 $0x7FFF, v62;
	v39 =	vadd.f32 v39, v42;
	[tilespmem:v45+s17+$0x0] =	vst.idx.add.f32.msk $0xffff, v59  }
0x11e: {  	v34 =	vcvt.s32.f32 v34;
	v59 =	vld.idx.msk [tilespmem:v60+s3+$0x0], $0xffff;
	v60 =	vadd.s32 $0x2, v53  }
0x11f: {  	v43 =	vadd.s32 v20, v43;
	v36 =	vand.u32 $0x7FFF, v36;
	[tilespmem:v61+s17+$0x0] =	vst.idx.add.f32.msk $0xffff, v39;
	v61 =	vadd.s32 $0x4, v40  }
0x120: {  	v20 =	vmul.f32 $3.051850940e-05, v34;
	v40 =	vmul.u32 $0x3, v36;
	[tilespmem:v58+s17+$0x0] =	vst.idx.add.f32.msk $0xffff, v35;
	v62 =	vsub.f32 v37, v50  }
0x121: {  	v57 =	vld.idx.msk [tilespmem:v57+s3+$0x0], $0xffff  }
0x122: {  	v63 =	vadd.s32 $0x1, v43;
	[tilespmem:v26+s17+$0x0] =	vst.idx.add.f32.msk $0xffff, v2;
	v34 =	vmul.f32 v62, v20  }
0x123: {  	v56 =	vadd.s32 $0x1, v47;
	v53 =	vsub.f32 $1.000000000e+00, v44;
	[tilespmem:v60+s17+$0x0] =	vst.idx.add.f32.msk $0xffff, v2  }
0x124: {  	v47 =	vadd.s32 $0x4, v47;
	v33 =	vsub.f32 v33, v38;
	v37 =	vld.idx.msk [tilespmem:v61+s3+$0x0], $0xffff;
	v34 =	vadd.f32 v34, v50  }
0x125: {  	v31 =	vsub.f32 v31, v41;
	v60 =	vadd.s32 $0x1, v54;
	[tilespmem:v43+s18+$0x0] =	vst.idx.add.f32.msk $0xffff, v53  }
0x126: {  	v33 =	vmul.f32 v33, v30;
	v50 =	vadd.s32 $0x1, v51;
	[tilespmem:v40+s17+$0x0] =	vst.idx.add.f32.msk $0xffff, v34  }
0x127: {  	v62 =	vadd.s32 $0x2, v54;
	v31 =	vmul.f32 v31, v29;
	v42 =	vsub.f32 v59, v57;
	[tilespmem:v63+s18+$0x0] =	vst.idx.add.f32.msk $0xffff, v44  }
0x128: {  	v58 =	vadd.s32 $0x1, v45;
	v33 =	vadd.f32 v33, v38;
	v43 =	vld.idx.msk [tilespmem:v56+s3+$0x0], $0xffff  }
0x129: {  	v63 =	vadd.s32 $0x4, v24;
	v31 =	vadd.f32 v31, v41;
	v42 =	vmul.f32 v42, v14;
	v48 =	vld.idx.msk [tilespmem:v47+s3+$0x0], $0xffff  }
0x12a: {  	v25 =	vshrl.u32 v25, $0xC;
	v32 =	vshrl.u32 v32, $0xC;
	v24 =	vadd.s32 $0x1, v24;
	[tilespmem:v60+s17+$0x0] =	vst.idx.add.f32.msk $0xffff, v33  }
0x12b: {  	v32 =	vmul.u32 $0x810, v32;
	v59 =	vadd.s32 $0x2, v45;
	v61 =	vadd.f32 v42, v57;
	[tilespmem:v50+s17+$0x0] =	vst.idx.add.f32.msk $0xffff, v31  }
0x12c: {  	v25 =	vmul.u32 $0x810, v25;
	v56 =	vadd.s32 $0x2, v51;
	[tilespmem:v62+s17+$0x0] =	vst.idx.add.f32.msk $0xffff, v2  }
0x12d: {  	v21 =	vshrl.u32 v21, $0xC;
	v17 =	vadd.s32 v17, v32;
	v37 =	vsub.f32 v37, v52;
	[tilespmem:v58+s17+$0x0] =	vst.idx.add.f32.msk $0xffff, v61  }
0x12e: {  	v22 =	vshrl.u32 v22, $0xC;
	v23 =	vadd.s32 v23, v25;
	v53 =	vadd.s32 $0x1, v55;
	v57 =	vld.idx.msk [tilespmem:v63+s3+$0x0], $0xffff  }
0x12f: {  	v54 =	vadd.s32 $0x2, v55;
	v55 =	vshrl.u32 v46, $0xC;
	v25 =	vmul.f32 v37, v27;
	v24 =	vld.idx.msk [tilespmem:v24+s3+$0x0], $0xffff  }
0x130: {  	v22 =	vmul.u32 $0x810, v22;
	v33 =	vmul.u32 $0x810, v55;
	v61 =	vsub.f32 $1.000000000e+00, v29;
	[tilespmem:v59+s17+$0x0] =	vst.idx.add.f32.msk $0xffff, v2  }
0x131: {  	v28 =	vshrl.u32 v28, $0xC;
	v60 =	vadd.s32 $0x1, v17;
	[tilespmem:v56+s17+$0x0] =	vst.idx.add.f32.msk $0xffff, v2;
	v25 =	vadd.f32 v25, v52  }
0x132: {  	v21 =	vmul.u32 $0x810, v21;
	v28 =	vmul.u32 $0x810, v28;
	v18 =	vadd.s32 v18, v33;
	[tilespmem:v17+s18+$0x0] =	vst.idx.add.f32.msk $0xffff, v61  }
0x133: {  	v15 =	vadd.s32 v15, v22;
	v31 =	vadd.s32 $0x1, v23;
	v58 =	vsub.f32 $1.000000000e+00, v27;
	[tilespmem:v53+s17+$0x0] =	vst.idx.add.f32.msk $0xffff, v25  }
0x134: {  	v19 =	vadd.s32 v19, v28;
	v62 =	vadd.s32 $0x1, v18;
	[tilespmem:v54+s17+$0x0] =	vst.idx.add.f32.msk $0xffff, v2;
	v28 =	vsub.f32 v57, v24  }
0x135: {  	v63 =	vsub.f32 $1.000000000e+00, v30;
	v59 =	vshrl.u32 v36, $0xC;
	[tilespmem:v23+s18+$0x0] =	vst.idx.add.f32.msk $0xffff, v58;
	v23 =	vsub.f32 v48, v43  }
0x136: {  	v17 =	vadd.s32 v16, v21;
	v21 =	vadd.s32 $0x1, v19;
	[tilespmem:v60+s18+$0x0] =	vst.idx.add.f32.msk $0xffff, v29;
	v22 =	vmul.f32 v28, v10  }
0x137: {  	v25 =	vsub.f32 $1.000000000e+00, v12;
	[tilespmem:v18+s18+$0x0] =	vst.idx.add.f32.msk $0xffff, v63;
	v18 =	vadd.s32 $0x1, v11;
	v16 =	vmul.f32 v23, v20  }
0x138: {  	[tilespmem:v31+s18+$0x0] =	vst.idx.add.f32.msk $0xffff, v27;
	v27 =	vadd.s32 $0x2, v40;
	v22 =	vadd.f32 v22, v24;
	v24 =	vsub.f32 $1.000000000e+00, v14  }
0x139: {  	s23 =	simm.s32 $0x0;
	s24 =	simm.s32 $0x80;
	[tilespmem:v62+s18+$0x0] =	vst.idx.add.f32.msk $0xffff, v30;
	v31 =	vmul.u32 $0x810, v59;
	v23 =	vadd.s32 $0x1, v40;
	v16 =	vadd.f32 v16, v43  }
.LBB2_9:
0x13a: {  	v26 =	vmov s24;
	s23 =	sadd.s32 $0x8, s23;
	[tilespmem:v19+s18+$0x0] =	vst.idx.add.f32.msk $0xffff, v24  }
0x13b: {  	v13 =	vadd.s32 v13, v31;
	v19 =	vshrl.u32 v26, $0x7;
	p0 =	slt.u32 s23, $0x38;
	[tilespmem:v21+s18+$0x0] =	vst.idx.add.f32.msk $0xffff, v14  }
0x13c: {  	v14 =	vshll.u32 v19, $0x7;
	v19 =	vadd.s32 $0x1, v13  }
0x13d: {  	v11 =	vadd.s32 $0x2, v11;
	v14 =	vbroadcast v14, $0x0;
	[tilespmem:v18+s17+$0x0] =	vst.idx.add.f32.msk $0xffff, v22  }
0x13e: {  	[tilespmem:v23+s17+$0x0] =	vst.idx.add.f32.msk $0xffff, v16;
	v16 =	vsub.f32 $1.000000000e+00, v20  }
0x13f: {  	v21 =	vadd.s32 $0x1, v17;
	v18 =	vor.u32 v0, v14;
	[tilespmem:v27+s17+$0x0] =	vst.idx.add.f32.msk $0xffff, v2  }
0x140: {  	v22 =	vor.u32 v3, v14;
	[tilespmem:v13+s18+$0x0] =	vst.idx.add.f32.msk $0xffff, v16  }
0x141: {  	v13 =	vor.u32 v4, v14;
	[tilespmem:v19+s18+$0x0] =	vst.idx.add.f32.msk $0xffff, v20  }
0x142: {  	v16 =	vor.u32 v5, v14;
	[tilespmem:v11+s17+$0x0] =	vst.idx.add.f32.msk $0xffff, v2  }
0x143: {  	v20 =	vsub.f32 $1.000000000e+00, v10;
	v11 =	vor.u32 v6, v14;
	[tilespmem:v17+s18+$0x0] =	vst.idx.add.f32.msk $0xffff, v25  }
0x144: {  	v23 =	vor.u32 v7, v14;
	v17 =	vadd.s32 $0x1, v15;
	[tilespmem:v21+s18+$0x0] =	vst.idx.add.f32.msk $0xffff, v12  }
0x145: {  	v12 =	vor.u32 v8, v14;
	v19 =	vld.idx.msk [tilespmem:v18+s15+$0x0], $0xffff  }
0x146: {  	[tilespmem:v15+s18+$0x0] =	vst.idx.add.f32.msk $0xffff, v20  }
0x147: {  	v15 =	vld.idx.msk [tilespmem:v22+s15+$0x0], $0xffff  }
0x148: {  	v21 =	vld.idx.msk [tilespmem:v16+s14+$0x0], $0xffff  }
0x149: {  	v24 =	vld.idx.msk [tilespmem:v23+s14+$0x0], $0xffff  }
0x14a: {  	[tilespmem:v17+s18+$0x0] =	vst.idx.add.f32.msk $0xffff, v10  }
0x14b: {  	v20 =	vld.idx.msk [tilespmem:v13+s15+$0x0], $0xffff  }
0x14c: {  	v17 =	vld.idx.msk [tilespmem:v16+s15+$0x0], $0xffff  }
0x14d: {  	v25 =	vld.idx.msk [tilespmem:v23+s15+$0x0], $0xffff  }
0x14e: {  	v16 =	vmul.u32 $0x3, v15;
	v10 =	vld.idx.msk [tilespmem:v22+s14+$0x0], $0xffff  }
0x14f: {  	v26 =	vld.idx.msk [tilespmem:v12+s14+$0x0], $0xffff  }
0x150: {  	v27 =	vmul.u32 $0x3, v19;
	v28 =	vadd.s32 $0x3, v16;
	v29 =	vld.idx.msk [tilespmem:v11+s14+$0x0], $0xffff  }
0x151: {  	v33 =	vor.u32 v9, v14;
	v30 =	vmul.u32 $0x3, v20  }
0x152: {  	v14 =	vshrl.u32 v21, $0xF;
	v22 =	vand.u32 $0x7FFF, v21;
	v34 =	vmul.u32 $0x3, v17;
	v31 =	vld.idx.msk [tilespmem:v11+s15+$0x0], $0xffff  }
0x153: {  	v36 =	vadd.s32 $0x3, v27;
	v38 =	vmul.u32 $0x3, v25;
	v35 =	vld.idx.msk [tilespmem:v18+s14+$0x0], $0xffff;
	v18 =	vshrl.u32 v24, $0xF  }
0x154: {  	v23 =	vand.u32 $0x7FFF, v10;
	v10 =	vshrl.u32 v10, $0xF;
	v21 =	vadd.s32 $0x3, v34;
	v39 =	vld.idx.msk [tilespmem:v16+s3+$0x0], $0xffff  }
0x155: {  	v10 =	vand.u32 $0x7FFF, v10;
	v37 =	vadd.s32 $0x3, v38;
	v40 =	vshrl.u32 v26, $0xF;
	v28 =	vld.idx.msk [tilespmem:v28+s3+$0x0], $0xffff  }
0x156: {  	v42 =	vand.u32 $0x7FFF, v24;
	v10 =	vcvt.s32.f32 v10;
	v41 =	vand.u32 $0x7FFF, v29;
	v24 =	vld.idx.msk [tilespmem:v12+s15+$0x0], $0xffff  }
0x157: {  	v11 =	vmul.u32 $0x3, v23;
	v18 =	vand.u32 $0x7FFF, v18;
	v12 =	vshrl.u32 v29, $0xF  }
0x158: {  	v29 =	vcvt.s32.f32 v18;
	v10 =	vmul.f32 $3.051850940e-05, v10;
	v12 =	vand.u32 $0x7FFF, v12;
	v43 =	vld.idx.msk [tilespmem:v34+s3+$0x0], $0xffff  }
0x159: {  	v18 =	vmul.u32 $0x3, v22;
	v44 =	vshrl.u32 v35, $0xF;
	v12 =	vcvt.s32.f32 v12;
	v45 =	vld.idx.msk [tilespmem:v38+s3+$0x0], $0xffff  }
0x15a: {  	v14 =	vand.u32 $0x7FFF, v14;
	v32 =	vmul.u32 $0x3, v31;
	v46 =	vld.idx.msk [tilespmem:v37+s3+$0x0], $0xffff;
	v37 =	vand.u32 $0x7FFF, v40  }
0x15b: {  	v28 =	vsub.f32 v28, v39;
	v40 =	vld.idx.msk [tilespmem:v21+s3+$0x0], $0xffff;
	v21 =	vmul.f32 $3.051850940e-05, v12;
	v12 =	vcvt.s32.f32 v37  }
0x15c: {  	v48 =	vcvt.s32.f32 v14;
	v49 =	vadd.s32 $0x3, v32;
	v37 =	vand.u32 $0x7FFF, v26;
	v47 =	vld.idx.msk [tilespmem:v13+s14+$0x0], $0xffff  }
0x15d: {  	v50 =	vand.u32 $0x7FFF, v35;
	v29 =	vmul.f32 $3.051850940e-05, v29;
	v14 =	vand.u32 $0x7FFF, v44;
	v13 =	vld.idx.msk [tilespmem:v33+s15+$0x0], $0xffff  }
0x15e: {  	v26 =	vcvt.s32.f32 v14;
	v44 =	vmul.u32 $0x3, v24;
	v14 =	vmul.f32 $3.051850940e-05, v12;
	v35 =	vld.idx.msk [tilespmem:v27+s3+$0x0], $0xffff  }
0x15f: {  	v28 =	vmul.f32 v28, v10;
	v12 =	vmul.f32 $3.051850940e-05, v48;
	v48 =	vadd.s32 $0x4, v34;
	v36 =	vld.idx.msk [tilespmem:v36+s3+$0x0], $0xffff  }
0x160: {  	v53 =	vmul.u32 $0x3, v42;
	v52 =	vadd.s32 $0x3, v30;
	v46 =	vsub.f32 v46, v45;
	v51 =	vld.idx.msk [tilespmem:v30+s3+$0x0], $0xffff  }
0x161: {  	v54 =	vadd.s32 $0x3, v44;
	v28 =	vadd.f32 v28, v39;
	v39 =	vsub.f32 v40, v43;
	v40 =	vld.idx.msk [tilespmem:v32+s3+$0x0], $0xffff  }
0x162: {  	v56 =	vmul.u32 $0x3, v41;
	v55 =	vshrl.u32 v47, $0xF;
	v46 =	vmul.f32 v46, v29;
	v49 =	vld.idx.msk [tilespmem:v49+s3+$0x0], $0xffff  }
0x163: {  	v26 =	vmul.f32 $3.051850940e-05, v26;
	v39 =	vmul.f32 v39, v12;
	[tilespmem:v11+s17+$0x0] =	vst.idx.add.f32.msk $0xffff, v28;
	v28 =	vand.u32 $0x7FFF, v55  }
0x164: {  	v47 =	vand.u32 $0x7FFF, v47;
	v45 =	vadd.f32 v46, v45;
	v28 =	vcvt.s32.f32 v28;
	v46 =	vld.idx.msk [tilespmem:v33+s14+$0x0], $0xffff  }
0x165: {  	v33 =	vsub.f32 v36, v35;
	v39 =	vadd.f32 v39, v43;
	v36 =	vshrl.u32 v41, $0xC;
	v52 =	vld.idx.msk [tilespmem:v52+s3+$0x0], $0xffff  }
0x166: {  	v34 =	vadd.s32 $0x1, v34;
	v43 =	vadd.s32 $0x4, v38;
	v41 =	vmul.u32 $0x810, v36;
	v54 =	vld.idx.msk [tilespmem:v54+s3+$0x0], $0xffff  }
0x167: {  	v55 =	vmul.u32 $0x3, v50;
	v36 =	vmul.u32 $0x3, v47;
	v33 =	vmul.f32 v33, v26;
	v57 =	vld.idx.msk [tilespmem:v44+s3+$0x0], $0xffff  }
0x168: {  	v38 =	vadd.s32 $0x1, v38;
	v49 =	vsub.f32 v49, v40;
	[tilespmem:v53+s17+$0x0] =	vst.idx.add.f32.msk $0xffff, v45;
	v45 =	vmul.u32 $0x3, v13  }
0x169: {  	v28 =	vmul.f32 $3.051850940e-05, v28;
	v58 =	vadd.f32 v33, v35;
	[tilespmem:v18+s17+$0x0] =	vst.idx.add.f32.msk $0xffff, v39;
	v39 =	vadd.s32 $0x1, v32  }
0x16a: {  	v33 =	vadd.s32 $0x1, v56;
	v35 =	vmul.f32 v49, v21;
	v49 =	vshrl.u32 v46, $0xF;
	v48 =	vld.idx.msk [tilespmem:v48+s3+$0x0], $0xffff  }
0x16b: {  	v60 =	vmul.u32 $0x3, v37;
	v49 =	vand.u32 $0x7FFF, v49;
	v59 =	vld.idx.msk [tilespmem:v34+s3+$0x0], $0xffff;
	v34 =	vadd.s32 $0x2, v56  }
0x16c: {  	v52 =	vsub.f32 v52, v51;
	v35 =	vadd.f32 v35, v40;
	v40 =	vld.idx.msk [tilespmem:v43+s3+$0x0], $0xffff;
	v43 =	vcvt.s32.f32 v49  }
0x16d: {  	v61 =	vadd.s32 $0x3, v45;
	v49 =	vsub.f32 v54, v57;
	v54 =	vadd.s32 $0x1, v60;
	v38 =	vld.idx.msk [tilespmem:v38+s3+$0x0], $0xffff  }
0x16e: {  	v42 =	vshrl.u32 v42, $0xC;
	v52 =	vmul.f32 v52, v28;
	[tilespmem:v56+s17+$0x0] =	vst.idx.add.f32.msk $0xffff, v35;
	v56 =	vadd.s32 $0x2, v60  }
0x16f: {  	v42 =	vmul.u32 $0x810, v42;
	v35 =	vsub.f32 $1.000000000e+00, v21;
	v49 =	vmul.f32 v49, v14;
	v62 =	vld.idx.msk [tilespmem:v45+s3+$0x0], $0xffff  }
0x170: {  	v63 =	vadd.s32 $0x1, v44;
	v51 =	vadd.f32 v52, v51;
	v52 =	vadd.s32 $0x1, v53;
	v39 =	vld.idx.msk [tilespmem:v39+s3+$0x0], $0xffff  }
0x171: {  	v44 =	vadd.s32 $0x4, v44;
	v53 =	vadd.s32 $0x2, v53;
	v49 =	vadd.f32 v49, v57;
	[tilespmem:v55+s17+$0x0] =	vst.idx.add.f32.msk $0xffff, v58  }
0x172: {  	v57 =	vadd.s32 $0x1, v18;
	v48 =	vsub.f32 v48, v59;
	[tilespmem:v36+s17+$0x0] =	vst.idx.add.f32.msk $0xffff, v51;
	v51 =	vadd.s32 $0x1, v30  }
0x173: {  	v42 =	vadd.s32 v25, v42;
	v47 =	vshrl.u32 v47, $0xC;
	v40 =	vsub.f32 v40, v38;
	[tilespmem:v60+s17+$0x0] =	vst.idx.add.f32.msk $0xffff, v49  }
0x174: {  	v41 =	vadd.s32 v31, v41;
	v30 =	vadd.s32 $0x4, v30;
	v25 =	vmul.f32 v48, v12;
	v31 =	vld.idx.msk [tilespmem:v61+s3+$0x0], $0xffff  }
0x175: {  	v47 =	vmul.u32 $0x810, v47;
	v48 =	vadd.s32 $0x1, v27;
	v40 =	vmul.f32 v40, v29;
	v49 =	vld.idx.msk [tilespmem:v63+s3+$0x0], $0xffff  }
0x176: {  	v37 =	vshrl.u32 v37, $0xC;
	v50 =	vshrl.u32 v50, $0xC;
	v58 =	vadd.f32 v25, v59;
	v44 =	vld.idx.msk [tilespmem:v44+s3+$0x0], $0xffff  }
0x177: {  	v47 =	vadd.s32 v20, v47;
	v25 =	vsub.f32 $1.000000000e+00, v12;
	v38 =	vadd.f32 v40, v38;
	v51 =	vld.idx.msk [tilespmem:v51+s3+$0x0], $0xffff  }
0x178: {  	v32 =	vadd.s32 $0x4, v32;
	v20 =	vand.u32 $0x7FFF, v46;
	v40 =	vadd.s32 $0x4, v27;
	[tilespmem:v57+s17+$0x0] =	vst.idx.add.f32.msk $0xffff, v58  }
0x179: {  	v46 =	vadd.s32 $0x1, v55;
	v57 =	vmul.u32 $0x3, v20;
	v58 =	vshrl.u32 v20, $0xC;
	v30 =	vld.idx.msk [tilespmem:v30+s3+$0x0], $0xffff  }
0x17a: {  	v55 =	vadd.s32 $0x2, v55;
	v20 =	vmul.f32 $3.051850940e-05, v43;
	v43 =	vsub.f32 v31, v62;
	v48 =	vld.idx.msk [tilespmem:v48+s3+$0x0], $0xffff  }
0x17b: {  	v50 =	vmul.u32 $0x810, v50;
	v31 =	vmul.u32 $0x810, v58;
	v27 =	vadd.s32 $0x2, v57;
	[tilespmem:v52+s17+$0x0] =	vst.idx.add.f32.msk $0xffff, v38  }
0x17c: {  	v38 =	vadd.s32 $0x1, v42;
	v44 =	vsub.f32 v44, v49;
	v43 =	vmul.f32 v43, v20;
	[tilespmem:v53+s17+$0x0] =	vst.idx.add.f32.msk $0xffff, v2  }
0x17d: {  	v50 =	vadd.s32 v19, v50;
	v19 =	vsub.f32 $1.000000000e+00, v29;
	v52 =	vadd.s32 $0x1, v45;
	v32 =	vld.idx.msk [tilespmem:v32+s3+$0x0], $0xffff  }
0x17e: {  	v45 =	vadd.s32 $0x4, v45;
	v44 =	vmul.f32 v44, v14;
	v43 =	vadd.f32 v43, v62;
	v40 =	vld.idx.msk [tilespmem:v40+s3+$0x0], $0xffff  }
0x17f: {  	v22 =	vshrl.u32 v22, $0xC;
	v30 =	vsub.f32 v30, v51;
	[tilespmem:v42+s18+$0x0] =	vst.idx.add.f32.msk $0xffff, v19;
	v19 =	vmul.u32 $0x810, v37  }
0x180: {  	v23 =	vshrl.u32 v23, $0xC;
	v22 =	vmul.u32 $0x810, v22;
	v37 =	vadd.f32 v44, v49;
	[tilespmem:v57+s17+$0x0] =	vst.idx.add.f32.msk $0xffff, v43  }
0x181: {  	v42 =	vadd.s32 $0x1, v36;
	v30 =	vmul.f32 v30, v28;
	[tilespmem:v38+s18+$0x0] =	vst.idx.add.f32.msk $0xffff, v29;
	v19 =	vadd.s32 v24, v19  }
0x182: {  	v23 =	vmul.u32 $0x810, v23;
	v17 =	vadd.s32 v17, v22;
	v24 =	vadd.s32 $0x2, v36;
	v22 =	vld.idx.msk [tilespmem:v52+s3+$0x0], $0xffff  }
0x183: {  	v29 =	vadd.s32 $0x4, v16;
	v30 =	vadd.f32 v30, v51;
	v32 =	vsub.f32 v32, v39;
	v36 =	vld.idx.msk [tilespmem:v45+s3+$0x0], $0xffff  }
0x184: {  	v15 =	vadd.s32 v15, v23;
	v16 =	vadd.s32 $0x1, v16;
	v38 =	vsub.f32 v40, v48;
	[tilespmem:v54+s17+$0x0] =	vst.idx.add.f32.msk $0xffff, v37  }
0x185: {  	v23 =	vmul.f32 v32, v21;
	[tilespmem:v56+s17+$0x0] =	vst.idx.add.f32.msk $0xffff, v2  }
0x186: {  	v32 =	vmul.f32 v38, v26;
	[tilespmem:v42+s17+$0x0] =	vst.idx.add.f32.msk $0xffff, v30  }
0x187: {  	v23 =	vadd.f32 v23, v39;
	[tilespmem:v24+s17+$0x0] =	vst.idx.add.f32.msk $0xffff, v2  }
0x188: {  	v24 =	vadd.f32 v32, v48;
	v29 =	vld.idx.msk [tilespmem:v29+s3+$0x0], $0xffff  }
0x189: {  	v30 =	vld.idx.msk [tilespmem:v16+s3+$0x0], $0xffff;
	v16 =	vsub.f32 v36, v22  }
0x18a: {  	[tilespmem:v46+s17+$0x0] =	vst.idx.add.f32.msk $0xffff, v24;
	v24 =	vadd.s32 $0x1, v41  }
0x18b: {  	[tilespmem:v33+s17+$0x0] =	vst.idx.add.f32.msk $0xffff, v23;
	v16 =	vmul.f32 v16, v20  }
0x18c: {  	v23 =	vadd.s32 $0x1, v50;
	[tilespmem:v34+s17+$0x0] =	vst.idx.add.f32.msk $0xffff, v2  }
0x18d: {  	[tilespmem:v55+s17+$0x0] =	vst.idx.add.f32.msk $0xffff, v2;
	v16 =	vadd.f32 v16, v22  }
0x18e: {  	v32 =	vadd.s32 $0x1, v47;
	v22 =	vsub.f32 $1.000000000e+00, v26;
	[tilespmem:v41+s18+$0x0] =	vst.idx.add.f32.msk $0xffff, v35  }
0x18f: {  	v33 =	vadd.s32 $0x2, v18;
	v29 =	vsub.f32 v29, v30;
	[tilespmem:v24+s18+$0x0] =	vst.idx.add.f32.msk $0xffff, v21  }
.Ltmp3:
0x190: {  	v18 =	vsub.f32 $1.000000000e+00, v28;
	[tilespmem:v50+s18+$0x0] =	vst.idx.add.f32.msk $0xffff, v22;
	(pc) =	sbr.rel @p0 .LBB2_9-.Ltmp3, $4  }
0x191: {  	v21 =	vadd.s32 $0x1, v19;
	v22 =	vmul.f32 v29, v10;
	[tilespmem:v23+s18+$0x0] =	vst.idx.add.f32.msk $0xffff, v26  }
0x192: {  	[tilespmem:v47+s18+$0x0] =	vst.idx.add.f32.msk $0xffff, v18  }
0x193: {  	v24 =	vsub.f32 $1.000000000e+00, v14;
	v18 =	vadd.s32 $0x1, v11;
	v22 =	vadd.f32 v22, v30;
	[tilespmem:v32+s18+$0x0] =	vst.idx.add.f32.msk $0xffff, v28  }
0x194: {  	s24 =	sadd.s32 $0x80, s24;
	v23 =	vadd.s32 $0x1, v57;
	[tilespmem:v33+s17+$0x0] =	vst.idx.add.f32.msk $0xffff, v2  }
0x195: {  	_ =	sdelay $0x3  }
0x196: {  	[tilespmem:v19+s18+$0x0] =	vst.idx.add.f32.msk $0xffff, v24  }
0x197: {  	v13 =	vadd.s32 v13, v31;
	[tilespmem:v18+s17+$0x0] =	vst.idx.add.f32.msk $0xffff, v22  }
0x198: {  	v11 =	vadd.s32 $0x2, v11;
	[tilespmem:v23+s17+$0x0] =	vst.idx.add.f32.msk $0xffff, v16  }
0x199: {  	v62 =	vadd.s32 $0x1, v17;
	[tilespmem:v17+s18+$0x0] =	vst.idx.add.f32.msk $0xffff, v25  }
0x19a: {  	v61 =	vsub.f32 $1.000000000e+00, v20;
	[tilespmem:v21+s18+$0x0] =	vst.idx.add.f32.msk $0xffff, v14;
	v60 =	vadd.s32 $0x1, v13  }
0x19b: {  	s22 =	sadd.s32 $0x1, s22;
	[tilespmem:v27+s17+$0x0] =	vst.idx.add.f32.msk $0xffff, v2  }
0x19c: {  	v63 =	vadd.s32 $0x1, v15;
	p0 =	sne.s32 s22, $0x180;
	[tilespmem:v13+s18+$0x0] =	vst.idx.add.f32.msk $0xffff, v61  }
.Ltmp4:
0x19d: {  	[tilespmem:v11+s17+$0x0] =	vst.idx.add.f32.msk $0xffff, v2;
	(pc) =	sbr.rel @p0 .LBB2_6-.Ltmp4, $4  }
0x19e: {  	v11 =	vsub.f32 $1.000000000e+00, v10;
	[tilespmem:v62+s18+$0x0] =	vst.idx.add.f32.msk $0xffff, v12  }
0x19f: {  	[tilespmem:v60+s18+$0x0] =	vst.idx.add.f32.msk $0xffff, v20  }
0x1a0: {  	[tilespmem:v15+s18+$0x0] =	vst.idx.add.f32.msk $0xffff, v11  }
0x1a1: {  	[tilespmem:v63+s18+$0x0] =	vst.idx.add.f32.msk $0xffff, v10  }
0x1a2: {  	_ =	swait.ge [sflag:s16], $0x400  }
0x1a3: {  	[sflag:s16] =	ssyncset.done $0x0  }
0x1a4: {  	[sflag:s16] =	ssyncadd.s32 $0xFFFFFC00  }
0x1a5: {  	_ =	swait.ge [sflag:s16], $0x400  }
0x1a6: {  	[sflag:s16] =	ssyncset.done $0x0  }
0x1a7: {  	[sflag:s16] =	ssyncadd.s32 $0xFFFFFC00  }
0x1a8: {  	[hbm4b:s6+s9] =	stream.strided.scatter [tilespmem:s17], [sflag:$0x3], $0x18000, s10, s9, $0x38;
	[tilespmem:$0x1E900] =	vst v63  }
0x1a9: {  	s20 =	sadd.s32 $0x1, s20;
	_ =	swait.ge [sflag:s11], $0x18000  }
0x1aa: {  	p0 =	sne.s32 s20, s8;
	[sflag:s11] =	ssyncset.done $0x0  }
.Ltmp5:
0x1ab: {  	[sflag:s11] =	ssyncadd.s32 $0xFFFE8000;
	(pc) =	sbr.rel @p0 .LBB2_1-.Ltmp5, $4  }
0x1ac: {  	[hbm4b:s7+s9] =	stream.strided.scatter [tilespmem:s18], [sflag:$0x3], $0x4080, s10, s9, $0x38;
	[tilespmem:$0x1E900] =	vst v63  }
0x1ad: {  	_ =	swait.ge [sflag:s11], $0x4080  }
0x1ae: {  	[sflag:s11] =	ssyncset.done $0x0  }
0x1af: {  	[sflag:s11] =	ssyncadd.s32 $0xFFFFBF80  }
0x1b0: {  	_ =	sfence.sel $0x180000  }
0x1b1: {  	[bflag:$0x0] =	sbarrier.arrive $0xFFFF  }
0x1b2: {  	p0 =	sne.s32 s0, $0x0;
	_ =	strace $0x90000047  }
0x1b3: {  	s0 =	sadd.s32 @!p0 $0x100000, s1;
	[bflag:$0x2] =	sbarrier.arrive $0xFFFF  }
0x1b4: {  	[sflag:s0] =	ssyncadd.tile.s32 @!p0 $0x1;
	_ =	shalt  }
.Lfunc_end2:
_tile_overlayer_lowered:
.L_overlay_start_2:
0x1b5: {  	(tag) =	ssettag $0x2  }
0x1b6: {  	s0 =	rddreg [dreg:$0x0];
	s2 =	stileid.u32  }
0x1b7: {  	s1 =	rddreg [dreg:$0x1];
	p0 =	sne.s32 s2, $0x0  }
0x1b8: {  	s3 =	rddreg [dreg:$0x2];
	[bflag:$0x3] =	sbarrier.arrive $0xFFFF;
	s2 =	simm.s32 @!p0 $0x1C03  }
0x1b9: {  	[timem:s3], [sflag:s2] =	dma.local @!p0 [hbm:s0], s1  }
0x1ba: {  	s0 =	simm.s32 @!p0 $0x3  }
0x1bb: {  	_ =	swait.ge @!p0 [sflag:s0], s1  }
0x1bc: {  	s1 =	ssub.s32 @!p0 $0x0, s1;
	[sflag:s0] =	ssyncset.done @!p0 $0x0  }
0x1bd: {  	[sflag:s0] =	ssyncadd.s32 @!p0 s1  }
0x1be: {  	[bflag:$0x3] =	sbarrier.arrive $0xFFFF  }
0x1bf: {  	_ =	shalt  }

</sc_bundles>
